<compile_context>
chip_gen: v7x
topology: tpu7x:2x2x1
jax: 0.10.2.dev20260603
libtpu: 0.0.44.dev20260713+nightly
codegen_flags: <defaults>
</compile_context>

<pallas_src>
import functools

import jax
import jax.numpy as jnp
from jax import lax
from jax.experimental import pallas as pl
from jax.experimental.pallas import tpu as pltpu
from jax.experimental.pallas import tpu_sc as plsc

B, P, C_IN = 4, 8192, 16
M = P // 4
K = 32
C1, C2 = 32, 64
BM = 256
PB = P // (M // BM)
RB = 256
NW = 32
ROWS = B * M * K
CH = 128
EPS = 1e-5


NCH = 64
SCH = 128
DL = 5


def _k1_body(xyzt_ref, xyz_ref, featsT_ref, cen_ref, w1t_ref, b1_ref,
             idx_ref, cproj_ref, ptab_ref):
    xt4 = xyzt_ref[0]
    cen = cen_ref[0]
    pn = jnp.sum(xt4 * xt4, axis=0)
    cn = jnp.sum(cen * cen, axis=1)
    cb = cen.astype(jnp.bfloat16).astype(jnp.float32)
    xb = xt4.astype(jnp.bfloat16).astype(jnp.float32)
    dot = (cb[:, 0][None, :, None] * xb[0][:, None, :]
           + cb[:, 1][None, :, None] * xb[1][:, None, :]
           + cb[:, 2][None, :, None] * xb[2][:, None, :])
    d0 = cn[None, :, None] + pn[:, None, :] - 2.0 * dot

    iota_g = lax.broadcasted_iota(jnp.int32, (NCH, BM, SCH), 0)
    iota_l = lax.broadcasted_iota(jnp.int32, (NCH, BM, SCH), 2)
    gi4 = iota_g * SCH + iota_l
    lane_iota = lax.broadcasted_iota(jnp.int32, (BM, SCH), 1)
    liota = lax.broadcasted_iota(jnp.int32, (DL, BM, SCH), 0)
    kiota = lax.broadcasted_iota(jnp.int32, (BM, K), 1)

    def lev(l, carry):
        dw, v, i = carry
        m = jnp.min(dw, axis=0)
        sel = jnp.where(dw == m[None], iota_g, NCH)
        a = jnp.min(sel, axis=0)
        dw = jnp.where(iota_g == a[None], jnp.inf, dw)
        gi = a * SCH + lane_iota
        v = jnp.where(liota == l, m[None], v)
        i = jnp.where(liota == l, gi[None], i)
        return dw, v, i

    _, v, i = lax.fori_loop(0, DL, lev, (
        d0,
        jnp.full((DL, BM, SCH), jnp.inf, jnp.float32),
        jnp.zeros((DL, BM, SCH), jnp.int32)))

    def step(k, carry):
        w, wi, dc, acc, lastm, lasti = carry
        m = jnp.min(w, axis=1)
        mc = m[:, None]
        ii = jnp.min(jnp.where(w == mc, wi, P), axis=1)
        iic = ii[:, None]
        acc = jnp.where(kiota == k, iic, acc)
        sel = (w == mc) & (wi == iic)
        nv = jnp.full_like(w, jnp.inf)
        ni = jnp.zeros_like(wi)
        for l in range(DL - 1, 0, -1):
            hit = dc == l
            nv = jnp.where(hit, v[l], nv)
            ni = jnp.where(hit, i[l], ni)
        w = jnp.where(sel, nv, w)
        wi = jnp.where(sel, ni, wi)
        dc = dc + sel.astype(jnp.int32)
        return w, wi, dc, acc, m, ii

    _, _, _, acc, lastm, lasti = lax.fori_loop(0, K, step, (
        v[0], i[0], jnp.ones((BM, SCH), jnp.int32),
        jnp.zeros((BM, K), jnp.int32),
        jnp.zeros((BM,), jnp.float32), jnp.zeros((BM,), jnp.int32)))

    lm3 = lastm[None, :, None]
    li3 = lasti[None, :, None]
    lex = (d0 < lm3) | ((d0 == lm3) & (gi4 < li3))
    cnt = jnp.sum(jnp.sum(lex.astype(jnp.int32), axis=0), axis=1)
    bad = jnp.any(cnt != K - 1)

    def _naive():
        def nstep(k, carry):
            dd, acc2 = carry
            m = jnp.min(jnp.min(dd, axis=0), axis=1)[None, :, None]
            ci = jnp.min(jnp.min(jnp.where(dd == m, gi4, P), axis=0), axis=1)
            acc2 = jnp.where(kiota == k, ci[:, None], acc2)
            dd = jnp.where(gi4 == ci[None, :, None], jnp.inf, dd)
            return dd, acc2

        return lax.fori_loop(0, K, nstep,
                             (d0, jnp.zeros((BM, K), jnp.int32)))[1]

    acc = lax.cond(bad, _naive, lambda: acc)
    b = pl.program_id(0)
    idx_ref[0] = acc + b * P

    w1t = w1t_ref[...]
    cproj = (cen[:, 0:1] * w1t[0:1, :]
             + cen[:, 1:2] * w1t[1:2, :]
             + cen[:, 2:3] * w1t[2:3, :]) - b1_ref[...]
    cproj_ref[0] = cproj

    xb = xyz_ref[0]
    fb = featsT_ref[0]
    pt = (xb[:, 0:1] * w1t[0:1, :]
          + xb[:, 1:2] * w1t[1:2, :]
          + xb[:, 2:3] * w1t[2:3, :])
    pt = pt + jnp.dot(fb, w1t[3:, :], preferred_element_type=jnp.float32)
    ptab_ref[0] = pt


def _knn_project(xyz_t, xyz, featsT, centers, w1t, b1r):
    return pl.pallas_call(
        _k1_body,
        grid=(B, M // BM),
        in_specs=[
            pl.BlockSpec((1, 3, NCH, SCH), lambda b, i: (b, 0, 0, 0)),
            pl.BlockSpec((1, PB, 3), lambda b, i: (b, i, 0)),
            pl.BlockSpec((1, PB, C_IN), lambda b, i: (b, i, 0)),
            pl.BlockSpec((1, BM, 3), lambda b, i: (b, i, 0)),
            pl.BlockSpec((3 + C_IN, C1), lambda b, i: (0, 0)),
            pl.BlockSpec((1, C1), lambda b, i: (0, 0)),
        ],
        out_specs=[
            pl.BlockSpec((1, BM, K), lambda b, i: (b, i, 0)),
            pl.BlockSpec((1, BM, C1), lambda b, i: (b, i, 0)),
            pl.BlockSpec((1, PB, C1), lambda b, i: (b, i, 0)),
        ],
        out_shape=[
            jax.ShapeDtypeStruct((B, M, K), jnp.int32),
            jax.ShapeDtypeStruct((B, M, C1), jnp.float32),
            jax.ShapeDtypeStruct((B, P, C1), jnp.float32),
        ],
    )(xyz_t, xyz, featsT, centers, w1t, b1r)


@functools.partial(
    pl.kernel,
    mesh=plsc.VectorSubcoreMesh(core_axis_name="c", subcore_axis_name="s"),
    compiler_params=pltpu.CompilerParams(use_tc_tiling_on_sc=False),
    out_type=jax.ShapeDtypeStruct((ROWS, C1), jnp.float32),
    scratch_types=[
        pltpu.VMEM((CH,), jnp.int32),
        pltpu.VMEM((CH, C1), jnp.float32),
        pltpu.SemaphoreType.DMA,
    ],
)
def _sc_gather(table_hbm, idx_hbm, out_hbm, idx_v, rows_v, sem):
    wid = lax.axis_index("s") * 2 + lax.axis_index("c")
    per_w = ROWS // NW
    base = wid * per_w

    def body(c, carry):
        off = base + c * CH
        pltpu.sync_copy(idx_hbm.at[pl.ds(off, CH)], idx_v)
        pltpu.async_copy(table_hbm.at[idx_v], rows_v, sem).wait()
        pltpu.sync_copy(rows_v, out_hbm.at[pl.ds(off, CH)])
        return carry

    lax.fori_loop(0, per_w // CH, body, 0)


def _k3_body(g_ref, cp_ref, sums_ref):
    h1 = g_ref[...] - cp_ref[...][:, None, :]
    s1 = jnp.sum(jnp.sum(h1, axis=0), axis=0)
    s2 = jnp.sum(jnp.sum(h1 * h1, axis=0), axis=0)

    @pl.when(pl.program_id(0) == 0)
    def _():
        sums_ref[...] = jnp.zeros_like(sums_ref)

    sums_ref[0:1, :] += s1[None, :]
    sums_ref[1:2, :] += s2[None, :]


def _k4_body(g_ref, cp_ref, a1_ref, s1_ref, w2t_ref, b2_ref, sums_ref):
    h1 = g_ref[...] - cp_ref[...][:, None, :]
    x1 = jnp.maximum(h1 * a1_ref[0][None, None, :]
                     + s1_ref[0][None, None, :], 0.0)
    x1f = x1.reshape(RB * K, C1)
    h2 = jnp.dot(x1f, w2t_ref[...], preferred_element_type=jnp.float32)
    h2 = h2 + b2_ref[...]
    s1 = jnp.sum(h2, axis=0)
    s2 = jnp.sum(h2 * h2, axis=0)

    @pl.when(pl.program_id(0) == 0)
    def _():
        sums_ref[...] = jnp.zeros_like(sums_ref)

    sums_ref[0:1, :] += s1[None, :]
    sums_ref[1:2, :] += s2[None, :]


def _k5_body(g_ref, cp_ref, a1_ref, s1_ref, w2t_ref, b2_ref, a2_ref, s2_ref,
             out_ref):
    h1 = g_ref[...] - cp_ref[...][:, None, :]
    x1 = jnp.maximum(h1 * a1_ref[0][None, None, :]
                     + s1_ref[0][None, None, :], 0.0)
    x1f = x1.reshape(RB * K, C1)
    h2 = jnp.dot(x1f, w2t_ref[...], preferred_element_type=jnp.float32)
    h2 = h2 + b2_ref[...]
    x2 = jnp.maximum(h2 * a2_ref[...] + s2_ref[...], 0.0)
    x3 = x2.reshape(RB, K, C2)
    mx = x3[:, 0, :]
    for k in range(1, K):
        mx = jnp.maximum(mx, x3[:, k, :])
    out_ref[...] = mx


def kernel(xyz, feats, W1, b1, g1, be1, W2, b2, g2, be2):
    idxc = jnp.linspace(0.0, P - 1, M).astype(jnp.int32)
    centers = jnp.take(xyz, idxc, axis=1)

    xyz_t = xyz.transpose(0, 2, 1).reshape(B, 3, NCH, SCH)
    featsT = feats.transpose(0, 2, 1)
    w1t = W1.T
    b1r = b1.reshape(1, C1)

    idx, cproj, ptable = _knn_project(xyz_t, xyz, featsT, centers, w1t, b1r)

    g = _sc_gather(ptable.reshape(B * P, C1), idx.reshape(ROWS))
    g3 = g.reshape(B * M, K, C1)
    cpf = cproj.reshape(B * M, C1)

    nblk = (B * M) // RB
    sums1 = pl.pallas_call(
        _k3_body,
        grid=(nblk,),
        in_specs=[
            pl.BlockSpec((RB, K, C1), lambda i: (i, 0, 0)),
            pl.BlockSpec((RB, C1), lambda i: (i, 0)),
        ],
        out_specs=pl.BlockSpec((8, C1), lambda i: (0, 0)),
        out_shape=jax.ShapeDtypeStruct((8, C1), jnp.float32),
    )(g3, cpf)

    n1 = float(ROWS)
    mean1 = sums1[0] / n1
    var1 = sums1[1] / n1 - mean1 * mean1
    sc1 = g1 / jnp.sqrt(var1 + EPS)
    sh1 = be1 - mean1 * sc1
    w2t = W2.T
    b2r = b2.reshape(1, C2)

    sums2 = pl.pallas_call(
        _k4_body,
        grid=(nblk,),
        in_specs=[
            pl.BlockSpec((RB, K, C1), lambda i: (i, 0, 0)),
            pl.BlockSpec((RB, C1), lambda i: (i, 0)),
            pl.BlockSpec((1, C1), lambda i: (0, 0)),
            pl.BlockSpec((1, C1), lambda i: (0, 0)),
            pl.BlockSpec((C1, C2), lambda i: (0, 0)),
            pl.BlockSpec((1, C2), lambda i: (0, 0)),
        ],
        out_specs=pl.BlockSpec((8, C2), lambda i: (0, 0)),
        out_shape=jax.ShapeDtypeStruct((8, C2), jnp.float32),
    )(g3, cpf, sc1.reshape(1, C1), sh1.reshape(1, C1), w2t, b2r)

    mean2 = sums2[0] / n1
    var2 = sums2[1] / n1 - mean2 * mean2
    sc2 = g2 / jnp.sqrt(var2 + EPS)
    sh2 = be2 - mean2 * sc2

    out2 = pl.pallas_call(
        _k5_body,
        grid=(nblk,),
        in_specs=[
            pl.BlockSpec((RB, K, C1), lambda i: (i, 0, 0)),
            pl.BlockSpec((RB, C1), lambda i: (i, 0)),
            pl.BlockSpec((1, C1), lambda i: (0, 0)),
            pl.BlockSpec((1, C1), lambda i: (0, 0)),
            pl.BlockSpec((C1, C2), lambda i: (0, 0)),
            pl.BlockSpec((1, C2), lambda i: (0, 0)),
            pl.BlockSpec((1, C2), lambda i: (0, 0)),
            pl.BlockSpec((1, C2), lambda i: (0, 0)),
        ],
        out_specs=pl.BlockSpec((RB, C2), lambda i: (i, 0)),
        out_shape=jax.ShapeDtypeStruct((B * M, C2), jnp.float32),
    )(g3, cpf, sc1.reshape(1, C1), sh1.reshape(1, C1), w2t, b2r,
      sc2.reshape(1, C2), sh2.reshape(1, C2))

    out = out2.reshape(B, M, C2).transpose(0, 2, 1)
    return centers, out

# --- scband reference (transcript-rebuilt; emitter-appended) ---
"""Pipeline reference for scband-sa-layer-8091718386271 (READ-ONLY COPY).

The authoritative reference and input builder live on the scoring server;
editing this copy changes nothing except your own understanding.
"""

import jax, jax.numpy as jnp
import numpy as np

B, P, C_IN = 4, 8192, 16
NSAMPLE = 32
MLP = [32, 64]


def setup_inputs(seed: int = 0) -> dict:
    key = jax.random.key(seed)
    ks = jax.random.split(key, 8)
    xyz = jax.random.normal(ks[0], (B, P, 3), dtype=jnp.float32)
    feats = jax.random.normal(ks[1], (B, C_IN, P), dtype=jnp.float32)
    c0 = C_IN + 3
    W1 = jax.random.normal(ks[2], (MLP[0], c0), dtype=jnp.float32) * (1.0 / np.sqrt(c0))
    b1 = jnp.zeros((MLP[0],), jnp.float32)
    g1 = jnp.ones((MLP[0],), jnp.float32)
    be1 = jnp.zeros((MLP[0],), jnp.float32)
    W2 = jax.random.normal(ks[3], (MLP[1], MLP[0]), dtype=jnp.float32) * (1.0 / np.sqrt(MLP[0]))
    b2 = jnp.zeros((MLP[1],), jnp.float32)
    g2 = jnp.ones((MLP[1],), jnp.float32)
    be2 = jnp.zeros((MLP[1],), jnp.float32)
    return {"xyz": xyz, "feats": feats, "W1": W1, "b1": b1, "g1": g1, "be1": be1,
            "W2": W2, "b2": b2, "g2": g2, "be2": be2}


def _bn_relu(x, g, b, eps=1e-5):
    # BatchNorm1d in training mode: biased batch stats over (B, N)
    mean = x.mean(axis=(0, 2), keepdims=True)
    var = ((x - mean) ** 2).mean(axis=(0, 2), keepdims=True)
    y = (x - mean) / jnp.sqrt(var + eps)
    y = y * g[None, :, None] + b[None, :, None]
    return jnp.maximum(y, 0.0)


def _forward(xyz, feats, W1, b1, g1, be1, W2, b2, g2, be2):
    Bb, Pp, _ = xyz.shape
    M = max(1, Pp // 4)
    # deterministic uniform subsampling of centers (torch.linspace + long cast)
    idx_center = jnp.linspace(0.0, Pp - 1, M).astype(jnp.int32)
    centers = xyz[:, idx_center, :]  # (B, M, 3)
    # squared pairwise distances (monotonic in cdist; only indices are consumed)
    sq = (jnp.sum(centers ** 2, axis=-1)[:, :, None]
          + jnp.sum(xyz ** 2, axis=-1)[:, None, :]
          - 2.0 * jnp.einsum('bmd,bnd->bmn', centers, xyz))
    kk = min(NSAMPLE, Pp)
    idx_knn = jax.lax.top_k(-sq, kk)[1]  # (B, M, K) smallest distances
    bidx = jnp.arange(Bb)[:, None, None]
    neigh_xyz = xyz[bidx, idx_knn]  # (B, M, K, 3) batched gather
    local = jnp.transpose(neigh_xyz - centers[:, :, None, :], (0, 3, 1, 2))  # (B,3,M,K)
    feats_perm = jnp.transpose(feats, (0, 2, 1))  # (B, P, C)
    neigh_f = jnp.transpose(feats_perm[bidx, idx_knn], (0, 3, 1, 2))  # (B,C,M,K)
    cat = jnp.concatenate([local, neigh_f], axis=1)  # (B, C+3, M, K)
    Bm, Cm, Mm, Km = cat.shape
    x = cat.reshape(Bm, Cm, Mm * Km)
    x = _bn_relu(jnp.einsum('oc,bcn->bon', W1, x) + b1[None, :, None], g1, be1)
    x = _bn_relu(jnp.einsum('oc,bcn->bon', W2, x) + b2[None, :, None], g2, be2)
    out = x.reshape(Bm, -1, Mm, Km).max(axis=-1)  # (B, C', M)
    return centers, out


def reference(xyz, feats, W1, b1, g1, be1, W2, b2, g2, be2):
    return _forward(xyz, feats, W1, b1, g1, be1, W2, b2, g2, be2)

if __name__ == "__main__":
    import jax
    _d = setup_inputs()
    print(jax.jit(kernel)(*tuple(_d.values())))

</pallas_src>

<mosaic_0001>
#map = affine_map<(d0, d1) -> (0, 0)>
#map1 = affine_map<(d0, d1) -> (0)>
module attributes {stable_mosaic.version = 14 : i64} {
  func.func @_sc_gather(%arg0: i32, %arg1: i32, %arg2: memref<32768x32xf32, #tpu.memory_space<hbm>>, %arg3: memref<262144xi32, #tpu.memory_space<hbm>>, %arg4: memref<262144x32xf32, #tpu.memory_space<hbm>>, %arg5: memref<128xi32, #tpu.memory_space<vmem>>, %arg6: memref<128x32xf32, #tpu.memory_space<vmem>>, %arg7: memref<!tpu.dma_semaphore, #tpu.memory_space<semaphore_mem>>) attributes {dimension_semantics = [#tpu.dimension_semantics<core_parallel>, #tpu.dimension_semantics<subcore_parallel>], iteration_bounds = array<i64: 2, 16>, scalar_prefetch = 0 : i64, scratch_operands = 3 : i64, tpu.core_type = #tpu.core_type<sc_vector_subcore>, window_params = [{transform_indices = #map}, {transform_indices = #map1}, {transform_indices = #map}]} {
    %mul3A = arith.constant 2 : i32
    %mul3A_0 = arith.muli %arg1, %mul3A : i32
    %add3A = arith.addi %mul3A_0, %arg0 : i32
    %mul3A_1 = arith.constant 8192 : i32
    %mul3A_2 = arith.muli %add3A, %mul3A_1 : i32
    %scan3A = arith.constant 0 : i32
    %scan3A_3 = arith.constant 0 : i32
    %scan3A_4 = arith.constant 64 : i32
    %scan3A_5 = arith.addi %scan3A_3, %scan3A_4 : i32
    %scan3A_6 = arith.constant 1 : i32
    scf.for %scan3A_8 = %scan3A_3 to %scan3A_5 step %scan3A_6  : i32 {
      %mul3A_9 = arith.constant 128 : i32
      %mul3A_10 = arith.muli %scan3A_8, %mul3A_9 : i32
      %add3A_11 = arith.addi %mul3A_2, %mul3A_10 : i32
      "tpu.region"() ({
        %run_scoped3A = tpu.sem_alloc : memref<!tpu.dma_semaphore, #tpu.memory_space<semaphore_mem>>
        %dma_start3A_16 = tpu.memref_slice %arg3[%add3A_11] : memref<262144xi32, #tpu.memory_space<hbm>> -> memref<128xi32, #tpu.memory_space<hbm>>
        %dma_start3A_17 = tpu.memref_slice %arg3[%add3A_11] : memref<262144xi32, #tpu.memory_space<hbm>> -> memref<128xi32, #tpu.memory_space<hbm>>
        tpu.enqueue_dma source(%dma_start3A_17 : memref<128xi32, #tpu.memory_space<hbm>>) target(%arg5 : memref<128xi32, #tpu.memory_space<vmem>>) target_semaphore(%run_scoped3A : memref<!tpu.dma_semaphore, #tpu.memory_space<semaphore_mem>>)
        %dma_wait3A_18 = tpu.memref_slice %arg3[%add3A_11] : memref<262144xi32, #tpu.memory_space<hbm>> -> memref<128xi32, #tpu.memory_space<hbm>>
        %dma_wait3A_19 = tpu.memref_slice %arg3[%add3A_11] : memref<262144xi32, #tpu.memory_space<hbm>> -> memref<128xi32, #tpu.memory_space<hbm>>
        tpu.wait_dma2 semaphore(%run_scoped3A : memref<!tpu.dma_semaphore, #tpu.memory_space<semaphore_mem>>) src(%dma_wait3A_19 : memref<128xi32, #tpu.memory_space<hbm>>) dst(%arg5 : memref<128xi32, #tpu.memory_space<vmem>>)
        tpu.yield
      }) : () -> ()
      %dma_start3A = arith.constant 0 : i32
      %dma_start3A_12 = arith.constant 0 : i32
      %dma_start3A_13 = tpu.memref_slice %arg2[%dma_start3A, %dma_start3A_12] : memref<32768x32xf32, #tpu.memory_space<hbm>> -> memref<32768x32xf32, #tpu.memory_space<hbm>>
      tpu.enqueue_indirect_dma source(%dma_start3A_13 : memref<32768x32xf32, #tpu.memory_space<hbm>>) target(%arg6 : memref<128x32xf32, #tpu.memory_space<vmem>>) offsets(%arg5 : memref<128xi32, #tpu.memory_space<vmem>>) semaphore(%arg7 : memref<!tpu.dma_semaphore, #tpu.memory_space<semaphore_mem>>)
      %dma_wait3A = arith.constant 0 : i32
      %dma_wait3A_14 = arith.constant 0 : i32
      %dma_wait3A_15 = tpu.memref_slice %arg2[%dma_wait3A, %dma_wait3A_14] : memref<32768x32xf32, #tpu.memory_space<hbm>> -> memref<32768x32xf32, #tpu.memory_space<hbm>>
      tpu.wait_indirect_dma semaphore(%arg7 : memref<!tpu.dma_semaphore, #tpu.memory_space<semaphore_mem>>) src(%dma_wait3A_15 : memref<32768x32xf32, #tpu.memory_space<hbm>>) dst(%arg6 : memref<128x32xf32, #tpu.memory_space<vmem>>)
      "tpu.region"() ({
        %run_scoped3A = tpu.sem_alloc : memref<!tpu.dma_semaphore, #tpu.memory_space<semaphore_mem>>
        %dma_start3A_16 = arith.constant 0 : i32
        %dma_start3A_17 = tpu.memref_slice %arg4[%add3A_11, %dma_start3A_16] : memref<262144x32xf32, #tpu.memory_space<hbm>> -> memref<128x32xf32, #tpu.memory_space<hbm>>
        %dma_start3A_18 = arith.constant 0 : i32
        %dma_start3A_19 = tpu.memref_slice %arg4[%add3A_11, %dma_start3A_18] : memref<262144x32xf32, #tpu.memory_space<hbm>> -> memref<128x32xf32, #tpu.memory_space<hbm>>
        tpu.enqueue_dma source(%arg6 : memref<128x32xf32, #tpu.memory_space<vmem>>) target(%dma_start3A_19 : memref<128x32xf32, #tpu.memory_space<hbm>>) target_semaphore(%run_scoped3A : memref<!tpu.dma_semaphore, #tpu.memory_space<semaphore_mem>>)
        %dma_wait3A_20 = arith.constant 0 : i32
        %dma_wait3A_21 = tpu.memref_slice %arg4[%add3A_11, %dma_wait3A_20] : memref<262144x32xf32, #tpu.memory_space<hbm>> -> memref<128x32xf32, #tpu.memory_space<hbm>>
        %dma_wait3A_22 = arith.constant 0 : i32
        %dma_wait3A_23 = tpu.memref_slice %arg4[%add3A_11, %dma_wait3A_22] : memref<262144x32xf32, #tpu.memory_space<hbm>> -> memref<128x32xf32, #tpu.memory_space<hbm>>
        tpu.wait_dma2 semaphore(%run_scoped3A : memref<!tpu.dma_semaphore, #tpu.memory_space<semaphore_mem>>) src(%arg6 : memref<128x32xf32, #tpu.memory_space<vmem>>) dst(%dma_wait3A_23 : memref<128x32xf32, #tpu.memory_space<hbm>>)
        tpu.yield
      }) : () -> ()
    }
    %scan3A_7 = arith.constant 64 : i32
    return
  }
}

module attributes {stable_mosaic.version = 14 : i64} {
  func.func @_k1_body(%arg0: i32, %arg1: i32, %arg2: memref<1x3x64x128xf32, #tpu.memory_space<vmem>>, %arg3: memref<1x1024x3xf32, #tpu.memory_space<vmem>>, %arg4: memref<1x1024x16xf32, #tpu.memory_space<vmem>>, %arg5: memref<1x256x3xf32, #tpu.memory_space<vmem>>, %arg6: memref<19x32xf32, #tpu.memory_space<vmem>>, %arg7: memref<1x32xf32, #tpu.memory_space<vmem>>, %arg8: memref<1x256x32xi32, #tpu.memory_space<vmem>>, %arg9: memref<1x256x32xf32, #tpu.memory_space<vmem>>, %arg10: memref<1x1024x32xf32, #tpu.memory_space<vmem>>) attributes {dimension_semantics = [#tpu.dimension_semantics<arbitrary>, #tpu.dimension_semantics<arbitrary>], iteration_bounds = array<i64: 4, 8>, scalar_prefetch = 0 : i64, scratch_operands = 0 : i64, tpu.core_type = #tpu.core_type<tc>, window_params = [{transform_indices = @transform_0, window_bounds = array<i64: 1, 3, 64, 128>}, {transform_indices = @transform_1, window_bounds = array<i64: 1, 1024, 3>}, {transform_indices = @transform_2, window_bounds = array<i64: 1, 1024, 16>}, {transform_indices = @transform_3, window_bounds = array<i64: 1, 256, 3>}, {pipeline_mode = #tpu.pipeline_mode<synchronous>, transform_indices = @transform_4, window_bounds = array<i64: 19, 32>}, {pipeline_mode = #tpu.pipeline_mode<synchronous>, transform_indices = @transform_5, window_bounds = array<i64: 1, 32>}, {transform_indices = @transform_6, window_bounds = array<i64: 1, 256, 32>}, {transform_indices = @transform_7, window_bounds = array<i64: 1, 256, 32>}, {transform_indices = @transform_8, window_bounds = array<i64: 1, 1024, 32>}]} {
    %get3A = arith.constant 0 : index
    %get3A_0 = arith.constant 0 : index
    %get3A_1 = arith.constant 0 : index
    %get3A_2 = arith.constant 0 : index
    %get3A_3 = vector.load %arg2[%get3A, %get3A_0, %get3A_1, %get3A_2] : memref<1x3x64x128xf32, #tpu.memory_space<vmem>>, vector<1x3x64x128xf32>
    %get3A_4 = vector.shape_cast %get3A_3 : vector<1x3x64x128xf32> to vector<3x64x128xf32>
    %get3A_5 = arith.constant 0 : index
    %get3A_6 = arith.constant 0 : index
    %get3A_7 = arith.constant 0 : index
    %get3A_8 = vector.load %arg5[%get3A_5, %get3A_6, %get3A_7] : memref<1x256x3xf32, #tpu.memory_space<vmem>>, vector<1x256x3xf32>
    %get3A_9 = vector.shape_cast %get3A_8 : vector<1x256x3xf32> to vector<256x3xf32>
    %mul3A = arith.mulf %get3A_4, %get3A_4 : vector<3x64x128xf32>
    %reduce_sum3A = arith.constant dense<0.000000e+00> : vector<64x128xf32>
    %reduce_sum3A_10 = vector.multi_reduction <add>, %mul3A, %reduce_sum3A [0] : vector<3x64x128xf32> to vector<64x128xf32>
    %mul3A_11 = arith.mulf %get3A_9, %get3A_9 : vector<256x3xf32>
    %reduce_sum3A_12 = arith.constant dense<0.000000e+00> : vector<256xf32>
    %reduce_sum3A_13 = vector.multi_reduction <add>, %mul3A_11, %reduce_sum3A_12 [1] : vector<256x3xf32> to vector<256xf32>
    %convert_element_type3A = arith.truncf %get3A_9 : vector<256x3xf32> to vector<256x3xbf16>
    %convert_element_type3A_14 = arith.extf %convert_element_type3A : vector<256x3xbf16> to vector<256x3xf32>
    %convert_element_type3A_15 = arith.truncf %get3A_4 : vector<3x64x128xf32> to vector<3x64x128xbf16>
    %convert_element_type3A_16 = arith.extf %convert_element_type3A_15 : vector<3x64x128xbf16> to vector<3x64x128xf32>
    %slice3A = vector.extract_strided_slice %convert_element_type3A_14 {offsets = [0, 0], sizes = [256, 1], strides = [1, 1]} : vector<256x3xf32> to vector<256x1xf32>
    %squeeze3A = vector.shape_cast %slice3A : vector<256x1xf32> to vector<256xf32>
    %broadcast_in_dim3A = vector.shape_cast %squeeze3A : vector<256xf32> to vector<1x256x1xf32>
    %slice3A_17 = vector.extract_strided_slice %convert_element_type3A_16 {offsets = [0, 0, 0], sizes = [1, 64, 128], strides = [1, 1, 1]} : vector<3x64x128xf32> to vector<1x64x128xf32>
    %squeeze3A_18 = vector.shape_cast %slice3A_17 : vector<1x64x128xf32> to vector<64x128xf32>
    %broadcast_in_dim3A_19 = vector.shape_cast %squeeze3A_18 : vector<64x128xf32> to vector<64x1x128xf32>
    %mul3A_20 = vector.broadcast %broadcast_in_dim3A : vector<1x256x1xf32> to vector<64x256x128xf32>
    %mul3A_21 = vector.broadcast %broadcast_in_dim3A_19 : vector<64x1x128xf32> to vector<64x256x128xf32>
    %mul3A_22 = arith.mulf %mul3A_20, %mul3A_21 : vector<64x256x128xf32>
    %slice3A_23 = vector.extract_strided_slice %convert_element_type3A_14 {offsets = [0, 1], sizes = [256, 1], strides = [1, 1]} : vector<256x3xf32> to vector<256x1xf32>
    %squeeze3A_24 = vector.shape_cast %slice3A_23 : vector<256x1xf32> to vector<256xf32>
    %broadcast_in_dim3A_25 = vector.shape_cast %squeeze3A_24 : vector<256xf32> to vector<1x256x1xf32>
    %slice3A_26 = vector.extract_strided_slice %convert_element_type3A_16 {offsets = [1, 0, 0], sizes = [1, 64, 128], strides = [1, 1, 1]} : vector<3x64x128xf32> to vector<1x64x128xf32>
    %squeeze3A_27 = vector.shape_cast %slice3A_26 : vector<1x64x128xf32> to vector<64x128xf32>
    %broadcast_in_dim3A_28 = vector.shape_cast %squeeze3A_27 : vector<64x128xf32> to vector<64x1x128xf32>
    %mul3A_29 = vector.broadcast %broadcast_in_dim3A_25 : vector<1x256x1xf32> to vector<64x256x128xf32>
    %mul3A_30 = vector.broadcast %broadcast_in_dim3A_28 : vector<64x1x128xf32> to vector<64x256x128xf32>
    %mul3A_31 = arith.mulf %mul3A_29, %mul3A_30 : vector<64x256x128xf32>
    %add3A = arith.addf %mul3A_22, %mul3A_31 : vector<64x256x128xf32>
    %slice3A_32 = vector.extract_strided_slice %convert_element_type3A_14 {offsets = [0, 2], sizes = [256, 1], strides = [1, 1]} : vector<256x3xf32> to vector<256x1xf32>
    %squeeze3A_33 = vector.shape_cast %slice3A_32 : vector<256x1xf32> to vector<256xf32>
    %broadcast_in_dim3A_34 = vector.shape_cast %squeeze3A_33 : vector<256xf32> to vector<1x256x1xf32>
    %slice3A_35 = vector.extract_strided_slice %convert_element_type3A_16 {offsets = [2, 0, 0], sizes = [1, 64, 128], strides = [1, 1, 1]} : vector<3x64x128xf32> to vector<1x64x128xf32>
    %squeeze3A_36 = vector.shape_cast %slice3A_35 : vector<1x64x128xf32> to vector<64x128xf32>
    %broadcast_in_dim3A_37 = vector.shape_cast %squeeze3A_36 : vector<64x128xf32> to vector<64x1x128xf32>
    %mul3A_38 = vector.broadcast %broadcast_in_dim3A_34 : vector<1x256x1xf32> to vector<64x256x128xf32>
    %mul3A_39 = vector.broadcast %broadcast_in_dim3A_37 : vector<64x1x128xf32> to vector<64x256x128xf32>
    %mul3A_40 = arith.mulf %mul3A_38, %mul3A_39 : vector<64x256x128xf32>
    %add3A_41 = arith.addf %add3A, %mul3A_40 : vector<64x256x128xf32>
    %broadcast_in_dim3A_42 = vector.shape_cast %reduce_sum3A_13 : vector<256xf32> to vector<1x256x1xf32>
    %broadcast_in_dim3A_43 = vector.shape_cast %reduce_sum3A_10 : vector<64x128xf32> to vector<64x1x128xf32>
    %add3A_44 = vector.broadcast %broadcast_in_dim3A_42 : vector<1x256x1xf32> to vector<64x256x128xf32>
    %add3A_45 = vector.broadcast %broadcast_in_dim3A_43 : vector<64x1x128xf32> to vector<64x256x128xf32>
    %add3A_46 = arith.addf %add3A_44, %add3A_45 : vector<64x256x128xf32>
    %mul3A_47 = arith.constant 2.000000e+00 : f32
    %mul3A_48 = vector.broadcast %mul3A_47 : f32 to vector<64x256x128xf32>
    %mul3A_49 = arith.mulf %mul3A_48, %add3A_41 : vector<64x256x128xf32>
    %sub3A = arith.subf %add3A_46, %mul3A_49 : vector<64x256x128xf32>
    %iota3A = tpu.iota {dimensions = array<i32: 0>} : vector<64x256x128xi32>
    %iota3A_50 = tpu.iota {dimensions = array<i32: 2>} : vector<64x256x128xi32>
    %mul3A_51 = arith.constant 128 : i32
    %mul3A_52 = vector.broadcast %mul3A_51 : i32 to vector<64x256x128xi32>
    %mul3A_53 = arith.muli %iota3A, %mul3A_52 : vector<64x256x128xi32>
    %add3A_54 = arith.addi %mul3A_53, %iota3A_50 : vector<64x256x128xi32>
    %iota3A_55 = tpu.iota {dimensions = array<i32: 1>} : vector<256x128xi32>
    %iota3A_56 = tpu.iota {dimensions = array<i32: 0>} : vector<5x256x128xi32>
    %iota3A_57 = tpu.iota {dimensions = array<i32: 1>} : vector<256x32xi32>
    %broadcast_in_dim3A_58 = arith.constant 0x7F800000 : f32
    %broadcast_in_dim3A_59 = vector.broadcast %broadcast_in_dim3A_58 : f32 to vector<5x256x128xf32>
    %broadcast_in_dim3A_60 = arith.constant 0 : i32
    %broadcast_in_dim3A_61 = vector.broadcast %broadcast_in_dim3A_60 : i32 to vector<5x256x128xi32>
    %scan3A = arith.constant 0 : i32
    %scan3A_62 = arith.constant 5 : i32
    %scan3A_63 = arith.addi %scan3A, %scan3A_62 : i32
    %scan3A_64 = arith.constant 1 : i32
    %scan3A_65:3 = scf.for %scan3A_188 = %scan3A to %scan3A_63 step %scan3A_64 iter_args(%scan3A_189 = %sub3A, %scan3A_190 = %broadcast_in_dim3A_59, %scan3A_191 = %broadcast_in_dim3A_61) -> (vector<64x256x128xf32>, vector<5x256x128xf32>, vector<5x256x128xi32>)  : i32 {
      %reduce_min3A = arith.constant dense<0x7F800000> : vector<256x128xf32>
      %reduce_min3A_192 = vector.multi_reduction <minimumf>, %scan3A_189, %reduce_min3A [0] : vector<64x256x128xf32> to vector<256x128xf32>
      %broadcast_in_dim3A_193 = vector.shape_cast %reduce_min3A_192 : vector<256x128xf32> to vector<1x256x128xf32>
      %eq3A_194 = vector.broadcast %broadcast_in_dim3A_193 : vector<1x256x128xf32> to vector<64x256x128xf32>
      %eq3A_195 = arith.cmpf oeq, %scan3A_189, %eq3A_194 : vector<64x256x128xf32>
      %jit3A = arith.constant 64 : i32
      %broadcast_in_dim3A_196 = vector.broadcast %jit3A : i32 to vector<64x256x128xi32>
      %select_n3A = arith.select %eq3A_195, %iota3A, %broadcast_in_dim3A_196 : vector<64x256x128xi1>, vector<64x256x128xi32>
      %reduce_min3A_197 = arith.constant dense<2147483647> : vector<256x128xi32>
      %reduce_min3A_198 = vector.multi_reduction <minsi>, %select_n3A, %reduce_min3A_197 [0] : vector<64x256x128xi32> to vector<256x128xi32>
      %broadcast_in_dim3A_199 = vector.shape_cast %reduce_min3A_198 : vector<256x128xi32> to vector<1x256x128xi32>
      %eq3A_200 = vector.broadcast %broadcast_in_dim3A_199 : vector<1x256x128xi32> to vector<64x256x128xi32>
      %eq3A_201 = arith.cmpi eq, %iota3A, %eq3A_200 : vector<64x256x128xi32>
      %jit3A_202 = arith.constant 0x7F800000 : f32
      %broadcast_in_dim3A_203 = vector.broadcast %jit3A_202 : f32 to vector<64x256x128xf32>
      %select_n3A_204 = arith.select %eq3A_201, %broadcast_in_dim3A_203, %scan3A_189 : vector<64x256x128xi1>, vector<64x256x128xf32>
      %mul3A_205 = arith.constant 128 : i32
      %mul3A_206 = vector.broadcast %mul3A_205 : i32 to vector<256x128xi32>
      %mul3A_207 = arith.muli %reduce_min3A_198, %mul3A_206 : vector<256x128xi32>
      %add3A_208 = arith.addi %mul3A_207, %iota3A_55 : vector<256x128xi32>
      %eq3A_209 = vector.broadcast %scan3A_188 : i32 to vector<5x256x128xi32>
      %eq3A_210 = arith.cmpi eq, %iota3A_56, %eq3A_209 : vector<5x256x128xi32>
      %broadcast_in_dim3A_211 = vector.shape_cast %reduce_min3A_192 : vector<256x128xf32> to vector<1x256x128xf32>
      %broadcast_in_dim3A_212 = vector.shape_cast %broadcast_in_dim3A_211 : vector<1x256x128xf32> to vector<1x256x128xf32>
      %broadcast_in_dim3A_213 = vector.broadcast %broadcast_in_dim3A_212 : vector<1x256x128xf32> to vector<5x256x128xf32>
      %select_n3A_214 = arith.select %eq3A_210, %broadcast_in_dim3A_213, %scan3A_190 : vector<5x256x128xi1>, vector<5x256x128xf32>
      %eq3A_215 = vector.broadcast %scan3A_188 : i32 to vector<5x256x128xi32>
      %eq3A_216 = arith.cmpi eq, %iota3A_56, %eq3A_215 : vector<5x256x128xi32>
      %broadcast_in_dim3A_217 = vector.shape_cast %add3A_208 : vector<256x128xi32> to vector<1x256x128xi32>
      %broadcast_in_dim3A_218 = vector.shape_cast %broadcast_in_dim3A_217 : vector<1x256x128xi32> to vector<1x256x128xi32>
      %broadcast_in_dim3A_219 = vector.broadcast %broadcast_in_dim3A_218 : vector<1x256x128xi32> to vector<5x256x128xi32>
      %select_n3A_220 = arith.select %eq3A_216, %broadcast_in_dim3A_219, %scan3A_191 : vector<5x256x128xi1>, vector<5x256x128xi32>
      scf.yield %select_n3A_204, %select_n3A_214, %select_n3A_220 : vector<64x256x128xf32>, vector<5x256x128xf32>, vector<5x256x128xi32>
    }
    %scan3A_66 = arith.constant 5 : i32
    %slice3A_67 = vector.extract_strided_slice %scan3A_65#1 {offsets = [0, 0, 0], sizes = [1, 256, 128], strides = [1, 1, 1]} : vector<5x256x128xf32> to vector<1x256x128xf32>
    %squeeze3A_68 = vector.shape_cast %slice3A_67 : vector<1x256x128xf32> to vector<256x128xf32>
    %slice3A_69 = vector.extract_strided_slice %scan3A_65#2 {offsets = [0, 0, 0], sizes = [1, 256, 128], strides = [1, 1, 1]} : vector<5x256x128xi32> to vector<1x256x128xi32>
    %squeeze3A_70 = vector.shape_cast %slice3A_69 : vector<1x256x128xi32> to vector<256x128xi32>
    %broadcast_in_dim3A_71 = arith.constant 1 : i32
    %broadcast_in_dim3A_72 = vector.broadcast %broadcast_in_dim3A_71 : i32 to vector<256x128xi32>
    %broadcast_in_dim3A_73 = arith.constant 0 : i32
    %broadcast_in_dim3A_74 = vector.broadcast %broadcast_in_dim3A_73 : i32 to vector<256x32xi32>
    %broadcast_in_dim3A_75 = arith.constant 0.000000e+00 : f32
    %broadcast_in_dim3A_76 = vector.broadcast %broadcast_in_dim3A_75 : f32 to vector<256xf32>
    %broadcast_in_dim3A_77 = arith.constant 0 : i32
    %broadcast_in_dim3A_78 = vector.broadcast %broadcast_in_dim3A_77 : i32 to vector<256xi32>
    %scan3A_79 = arith.constant 0 : i32
    %scan3A_80 = arith.constant 32 : i32
    %scan3A_81 = arith.addi %scan3A_79, %scan3A_80 : i32
    %scan3A_82 = arith.constant 1 : i32
    %scan3A_83:6 = scf.for %scan3A_188 = %scan3A_79 to %scan3A_81 step %scan3A_82 iter_args(%scan3A_189 = %squeeze3A_68, %scan3A_190 = %squeeze3A_70, %scan3A_191 = %broadcast_in_dim3A_72, %scan3A_192 = %broadcast_in_dim3A_74, %scan3A_193 = %broadcast_in_dim3A_76, %scan3A_194 = %broadcast_in_dim3A_78) -> (vector<256x128xf32>, vector<256x128xi32>, vector<256x128xi32>, vector<256x32xi32>, vector<256xf32>, vector<256xi32>)  : i32 {
      %reduce_min3A = arith.constant dense<0x7F800000> : vector<256xf32>
      %reduce_min3A_195 = vector.multi_reduction <minimumf>, %scan3A_189, %reduce_min3A [1] : vector<256x128xf32> to vector<256xf32>
      %broadcast_in_dim3A_196 = vector.shape_cast %reduce_min3A_195 : vector<256xf32> to vector<256x1xf32>
      %eq3A_197 = vector.broadcast %broadcast_in_dim3A_196 : vector<256x1xf32> to vector<256x128xf32>
      %eq3A_198 = arith.cmpf oeq, %scan3A_189, %eq3A_197 : vector<256x128xf32>
      %jit3A = arith.constant 8192 : i32
      %broadcast_in_dim3A_199 = vector.broadcast %jit3A : i32 to vector<256x128xi32>
      %select_n3A = arith.select %eq3A_198, %scan3A_190, %broadcast_in_dim3A_199 : vector<256x128xi1>, vector<256x128xi32>
      %reduce_min3A_200 = arith.constant dense<2147483647> : vector<256xi32>
      %reduce_min3A_201 = vector.multi_reduction <minsi>, %select_n3A, %reduce_min3A_200 [1] : vector<256x128xi32> to vector<256xi32>
      %broadcast_in_dim3A_202 = vector.shape_cast %reduce_min3A_201 : vector<256xi32> to vector<256x1xi32>
      %eq3A_203 = vector.broadcast %scan3A_188 : i32 to vector<256x32xi32>
      %eq3A_204 = arith.cmpi eq, %iota3A_57, %eq3A_203 : vector<256x32xi32>
      %broadcast_in_dim3A_205 = vector.shape_cast %broadcast_in_dim3A_202 : vector<256x1xi32> to vector<256x1xi32>
      %broadcast_in_dim3A_206 = vector.broadcast %broadcast_in_dim3A_205 : vector<256x1xi32> to vector<256x32xi32>
      %select_n3A_207 = arith.select %eq3A_204, %broadcast_in_dim3A_206, %scan3A_192 : vector<256x32xi1>, vector<256x32xi32>
      %eq3A_208 = vector.broadcast %broadcast_in_dim3A_196 : vector<256x1xf32> to vector<256x128xf32>
      %eq3A_209 = arith.cmpf oeq, %scan3A_189, %eq3A_208 : vector<256x128xf32>
      %eq3A_210 = vector.broadcast %broadcast_in_dim3A_202 : vector<256x1xi32> to vector<256x128xi32>
      %eq3A_211 = arith.cmpi eq, %scan3A_190, %eq3A_210 : vector<256x128xi32>
      %and3A_212 = arith.andi %eq3A_209, %eq3A_211 : vector<256x128xi1>
      %broadcast_in_dim3A_213 = arith.constant 0x7F800000 : f32
      %broadcast_in_dim3A_214 = vector.broadcast %broadcast_in_dim3A_213 : f32 to vector<256x128xf32>
      %broadcast_in_dim3A_215 = arith.constant 0 : i32
      %broadcast_in_dim3A_216 = vector.broadcast %broadcast_in_dim3A_215 : i32 to vector<256x128xi32>
      %eq3A_217 = arith.constant 4 : i32
      %eq3A_218 = vector.broadcast %eq3A_217 : i32 to vector<256x128xi32>
      %eq3A_219 = arith.cmpi eq, %scan3A_191, %eq3A_218 : vector<256x128xi32>
      %slice3A_220 = vector.extract_strided_slice %scan3A_65#1 {offsets = [4, 0, 0], sizes = [1, 256, 128], strides = [1, 1, 1]} : vector<5x256x128xf32> to vector<1x256x128xf32>
      %squeeze3A_221 = vector.shape_cast %slice3A_220 : vector<1x256x128xf32> to vector<256x128xf32>
      %select_n3A_222 = arith.select %eq3A_219, %squeeze3A_221, %broadcast_in_dim3A_214 : vector<256x128xi1>, vector<256x128xf32>
      %slice3A_223 = vector.extract_strided_slice %scan3A_65#2 {offsets = [4, 0, 0], sizes = [1, 256, 128], strides = [1, 1, 1]} : vector<5x256x128xi32> to vector<1x256x128xi32>
      %squeeze3A_224 = vector.shape_cast %slice3A_223 : vector<1x256x128xi32> to vector<256x128xi32>
      %select_n3A_225 = arith.select %eq3A_219, %squeeze3A_224, %broadcast_in_dim3A_216 : vector<256x128xi1>, vector<256x128xi32>
      %eq3A_226 = arith.constant 3 : i32
      %eq3A_227 = vector.broadcast %eq3A_226 : i32 to vector<256x128xi32>
      %eq3A_228 = arith.cmpi eq, %scan3A_191, %eq3A_227 : vector<256x128xi32>
      %slice3A_229 = vector.extract_strided_slice %scan3A_65#1 {offsets = [3, 0, 0], sizes = [1, 256, 128], strides = [1, 1, 1]} : vector<5x256x128xf32> to vector<1x256x128xf32>
      %squeeze3A_230 = vector.shape_cast %slice3A_229 : vector<1x256x128xf32> to vector<256x128xf32>
      %select_n3A_231 = arith.select %eq3A_228, %squeeze3A_230, %select_n3A_222 : vector<256x128xi1>, vector<256x128xf32>
      %slice3A_232 = vector.extract_strided_slice %scan3A_65#2 {offsets = [3, 0, 0], sizes = [1, 256, 128], strides = [1, 1, 1]} : vector<5x256x128xi32> to vector<1x256x128xi32>
      %squeeze3A_233 = vector.shape_cast %slice3A_232 : vector<1x256x128xi32> to vector<256x128xi32>
      %select_n3A_234 = arith.select %eq3A_228, %squeeze3A_233, %select_n3A_225 : vector<256x128xi1>, vector<256x128xi32>
      %eq3A_235 = arith.constant 2 : i32
      %eq3A_236 = vector.broadcast %eq3A_235 : i32 to vector<256x128xi32>
      %eq3A_237 = arith.cmpi eq, %scan3A_191, %eq3A_236 : vector<256x128xi32>
      %slice3A_238 = vector.extract_strided_slice %scan3A_65#1 {offsets = [2, 0, 0], sizes = [1, 256, 128], strides = [1, 1, 1]} : vector<5x256x128xf32> to vector<1x256x128xf32>
      %squeeze3A_239 = vector.shape_cast %slice3A_238 : vector<1x256x128xf32> to vector<256x128xf32>
      %select_n3A_240 = arith.select %eq3A_237, %squeeze3A_239, %select_n3A_231 : vector<256x128xi1>, vector<256x128xf32>
      %slice3A_241 = vector.extract_strided_slice %scan3A_65#2 {offsets = [2, 0, 0], sizes = [1, 256, 128], strides = [1, 1, 1]} : vector<5x256x128xi32> to vector<1x256x128xi32>
      %squeeze3A_242 = vector.shape_cast %slice3A_241 : vector<1x256x128xi32> to vector<256x128xi32>
      %select_n3A_243 = arith.select %eq3A_237, %squeeze3A_242, %select_n3A_234 : vector<256x128xi1>, vector<256x128xi32>
      %eq3A_244 = arith.constant 1 : i32
      %eq3A_245 = vector.broadcast %eq3A_244 : i32 to vector<256x128xi32>
      %eq3A_246 = arith.cmpi eq, %scan3A_191, %eq3A_245 : vector<256x128xi32>
      %slice3A_247 = vector.extract_strided_slice %scan3A_65#1 {offsets = [1, 0, 0], sizes = [1, 256, 128], strides = [1, 1, 1]} : vector<5x256x128xf32> to vector<1x256x128xf32>
      %squeeze3A_248 = vector.shape_cast %slice3A_247 : vector<1x256x128xf32> to vector<256x128xf32>
      %select_n3A_249 = arith.select %eq3A_246, %squeeze3A_248, %select_n3A_240 : vector<256x128xi1>, vector<256x128xf32>
      %slice3A_250 = vector.extract_strided_slice %scan3A_65#2 {offsets = [1, 0, 0], sizes = [1, 256, 128], strides = [1, 1, 1]} : vector<5x256x128xi32> to vector<1x256x128xi32>
      %squeeze3A_251 = vector.shape_cast %slice3A_250 : vector<1x256x128xi32> to vector<256x128xi32>
      %select_n3A_252 = arith.select %eq3A_246, %squeeze3A_251, %select_n3A_243 : vector<256x128xi1>, vector<256x128xi32>
      %select_n3A_253 = arith.select %and3A_212, %select_n3A_249, %scan3A_189 : vector<256x128xi1>, vector<256x128xf32>
      %select_n3A_254 = arith.select %and3A_212, %select_n3A_252, %scan3A_190 : vector<256x128xi1>, vector<256x128xi32>
      %convert_element_type3A_255 = arith.extui %and3A_212 : vector<256x128xi1> to vector<256x128xi32>
      %add3A_256 = arith.addi %scan3A_191, %convert_element_type3A_255 : vector<256x128xi32>
      scf.yield %select_n3A_253, %select_n3A_254, %add3A_256, %select_n3A_207, %reduce_min3A_195, %reduce_min3A_201 : vector<256x128xf32>, vector<256x128xi32>, vector<256x128xi32>, vector<256x32xi32>, vector<256xf32>, vector<256xi32>
    }
    %scan3A_84 = arith.constant 32 : i32
    %broadcast_in_dim3A_85 = vector.shape_cast %scan3A_83#4 : vector<256xf32> to vector<1x256x1xf32>
    %broadcast_in_dim3A_86 = vector.shape_cast %scan3A_83#5 : vector<256xi32> to vector<1x256x1xi32>
    %lt3A = vector.broadcast %broadcast_in_dim3A_85 : vector<1x256x1xf32> to vector<64x256x128xf32>
    %lt3A_87 = arith.cmpf olt, %sub3A, %lt3A : vector<64x256x128xf32>
    %eq3A = vector.broadcast %broadcast_in_dim3A_85 : vector<1x256x1xf32> to vector<64x256x128xf32>
    %eq3A_88 = arith.cmpf oeq, %sub3A, %eq3A : vector<64x256x128xf32>
    %lt3A_89 = vector.broadcast %broadcast_in_dim3A_86 : vector<1x256x1xi32> to vector<64x256x128xi32>
    %lt3A_90 = arith.cmpi slt, %add3A_54, %lt3A_89 : vector<64x256x128xi32>
    %and3A = arith.andi %eq3A_88, %lt3A_90 : vector<64x256x128xi1>
    %or3A = arith.ori %lt3A_87, %and3A : vector<64x256x128xi1>
    %convert_element_type3A_91 = arith.extui %or3A : vector<64x256x128xi1> to vector<64x256x128xi32>
    %reduce_sum3A_92 = arith.constant dense<0> : vector<256x128xi32>
    %reduce_sum3A_93 = vector.multi_reduction <add>, %convert_element_type3A_91, %reduce_sum3A_92 [0] : vector<64x256x128xi32> to vector<256x128xi32>
    %reduce_sum3A_94 = arith.constant dense<0> : vector<256xi32>
    %reduce_sum3A_95 = vector.multi_reduction <add>, %reduce_sum3A_93, %reduce_sum3A_94 [1] : vector<256x128xi32> to vector<256xi32>
    %ne3A = arith.constant 31 : i32
    %ne3A_96 = vector.broadcast %ne3A : i32 to vector<256xi32>
    %ne3A_97 = arith.cmpi ne, %reduce_sum3A_95, %ne3A_96 : vector<256xi32>
    %reduce_or3A = arith.constant 1.000000e+00 : f32
    %reduce_or3A_98 = arith.constant 0.000000e+00 : f32
    %reduce_or3A_99 = vector.broadcast %reduce_or3A : f32 to vector<256xf32>
    %reduce_or3A_100 = vector.broadcast %reduce_or3A_98 : f32 to vector<256xf32>
    %reduce_or3A_101 = arith.select %ne3A_97, %reduce_or3A_99, %reduce_or3A_100 : vector<256xi1>, vector<256xf32>
    %reduce_or3A_102 = vector.shape_cast %reduce_or3A_101 : vector<256xf32> to vector<1x256xf32>
    %reduce_or3A_103 = arith.constant dense<0xFF800000> : vector<1xf32>
    %reduce_or3A_104 = vector.multi_reduction <maximumf>, %reduce_or3A_102, %reduce_or3A_103 [1] : vector<1x256xf32> to vector<1xf32>
    %reduce_or3A_105 = vector.shape_cast %reduce_or3A_104 : vector<1xf32> to vector<1x1xf32>
    %reduce_or3A_106 = vector.extract %reduce_or3A_105[0, 0] : f32 from vector<1x1xf32>
    %reduce_or3A_107 = arith.constant 0.000000e+00 : f32
    %reduce_or3A_108 = arith.cmpf ogt, %reduce_or3A_106, %reduce_or3A_107 : f32
    %convert_element_type3A_109 = arith.extui %reduce_or3A_108 : i1 to i32
    %cond3A = arith.constant 0 : i32
    %cond3A_110 = arith.cmpi ne, %convert_element_type3A_109, %cond3A : i32
    %cond3A_111 = scf.if %cond3A_110 -> (vector<256x32xi32>) {
      %broadcast_in_dim3A_188 = arith.constant 0 : i32
      %broadcast_in_dim3A_189 = vector.broadcast %broadcast_in_dim3A_188 : i32 to vector<256x32xi32>
      %scan3A_190 = arith.constant 0 : i32
      %scan3A_191 = arith.constant 32 : i32
      %scan3A_192 = arith.addi %scan3A_190, %scan3A_191 : i32
      %scan3A_193 = arith.constant 1 : i32
      %scan3A_194:2 = scf.for %scan3A_196 = %scan3A_190 to %scan3A_192 step %scan3A_193 iter_args(%scan3A_197 = %sub3A, %scan3A_198 = %broadcast_in_dim3A_189) -> (vector<64x256x128xf32>, vector<256x32xi32>)  : i32 {
        %reduce_min3A = arith.constant dense<0x7F800000> : vector<256x128xf32>
        %reduce_min3A_199 = vector.multi_reduction <minimumf>, %scan3A_197, %reduce_min3A [0] : vector<64x256x128xf32> to vector<256x128xf32>
        %reduce_min3A_200 = arith.constant dense<0x7F800000> : vector<256xf32>
        %reduce_min3A_201 = vector.multi_reduction <minimumf>, %reduce_min3A_199, %reduce_min3A_200 [1] : vector<256x128xf32> to vector<256xf32>
        %broadcast_in_dim3A_202 = vector.shape_cast %reduce_min3A_201 : vector<256xf32> to vector<1x256x1xf32>
        %eq3A_203 = vector.broadcast %broadcast_in_dim3A_202 : vector<1x256x1xf32> to vector<64x256x128xf32>
        %eq3A_204 = arith.cmpf oeq, %scan3A_197, %eq3A_203 : vector<64x256x128xf32>
        %jit3A = arith.constant 8192 : i32
        %broadcast_in_dim3A_205 = vector.broadcast %jit3A : i32 to vector<64x256x128xi32>
        %select_n3A = arith.select %eq3A_204, %add3A_54, %broadcast_in_dim3A_205 : vector<64x256x128xi1>, vector<64x256x128xi32>
        %reduce_min3A_206 = arith.constant dense<2147483647> : vector<256x128xi32>
        %reduce_min3A_207 = vector.multi_reduction <minsi>, %select_n3A, %reduce_min3A_206 [0] : vector<64x256x128xi32> to vector<256x128xi32>
        %reduce_min3A_208 = arith.constant dense<2147483647> : vector<256xi32>
        %reduce_min3A_209 = vector.multi_reduction <minsi>, %reduce_min3A_207, %reduce_min3A_208 [1] : vector<256x128xi32> to vector<256xi32>
        %eq3A_210 = vector.broadcast %scan3A_196 : i32 to vector<256x32xi32>
        %eq3A_211 = arith.cmpi eq, %iota3A_57, %eq3A_210 : vector<256x32xi32>
        %broadcast_in_dim3A_212 = vector.shape_cast %reduce_min3A_209 : vector<256xi32> to vector<256x1xi32>
        %broadcast_in_dim3A_213 = vector.shape_cast %broadcast_in_dim3A_212 : vector<256x1xi32> to vector<256x1xi32>
        %broadcast_in_dim3A_214 = vector.broadcast %broadcast_in_dim3A_213 : vector<256x1xi32> to vector<256x32xi32>
        %select_n3A_215 = arith.select %eq3A_211, %broadcast_in_dim3A_214, %scan3A_198 : vector<256x32xi1>, vector<256x32xi32>
        %broadcast_in_dim3A_216 = vector.shape_cast %reduce_min3A_209 : vector<256xi32> to vector<1x256x1xi32>
        %eq3A_217 = vector.broadcast %broadcast_in_dim3A_216 : vector<1x256x1xi32> to vector<64x256x128xi32>
        %eq3A_218 = arith.cmpi eq, %add3A_54, %eq3A_217 : vector<64x256x128xi32>
        %jit3A_219 = arith.constant 0x7F800000 : f32
        %broadcast_in_dim3A_220 = vector.broadcast %jit3A_219 : f32 to vector<64x256x128xf32>
        %select_n3A_221 = arith.select %eq3A_218, %broadcast_in_dim3A_220, %scan3A_197 : vector<64x256x128xi1>, vector<64x256x128xf32>
        scf.yield %select_n3A_221, %select_n3A_215 : vector<64x256x128xf32>, vector<256x32xi32>
      }
      %scan3A_195 = arith.constant 32 : i32
      scf.yield %scan3A_194#1 : vector<256x32xi32>
    } else {
      scf.yield %scan3A_83#3 : vector<256x32xi32>
    }
    %mul3A_112 = arith.constant 8192 : i32
    %mul3A_113 = arith.muli %arg0, %mul3A_112 : i32
    %add3A_114 = vector.broadcast %mul3A_113 : i32 to vector<256x32xi32>
    %add3A_115 = arith.addi %cond3A_111, %add3A_114 : vector<256x32xi32>
    %swap3A = arith.constant 0 : index
    %swap3A_116 = arith.constant 0 : index
    %swap3A_117 = arith.constant 0 : index
    %swap3A_118 = vector.load %arg8[%swap3A, %swap3A_116, %swap3A_117] : memref<1x256x32xi32, #tpu.memory_space<vmem>>, vector<1x256x32xi32>
    %swap3A_119 = vector.shape_cast %swap3A_118 : vector<1x256x32xi32> to vector<256x32xi32>
    %swap3A_120 = vector.shape_cast %add3A_115 : vector<256x32xi32> to vector<1x256x32xi32>
    tpu.vector_store %arg8[%swap3A, %swap3A_116, %swap3A_117], %swap3A_120 {strides = array<i32>} : memref<1x256x32xi32, #tpu.memory_space<vmem>>, vector<1x256x32xi32>,
    %get3A_121 = arith.constant 0 : index
    %get3A_122 = arith.constant 0 : index
    %get3A_123 = vector.load %arg6[%get3A_121, %get3A_122] : memref<19x32xf32, #tpu.memory_space<vmem>>, vector<19x32xf32>
    %slice3A_124 = vector.extract_strided_slice %get3A_9 {offsets = [0, 0], sizes = [256, 1], strides = [1, 1]} : vector<256x3xf32> to vector<256x1xf32>
    %slice3A_125 = vector.extract_strided_slice %get3A_123 {offsets = [0, 0], sizes = [1, 32], strides = [1, 1]} : vector<19x32xf32> to vector<1x32xf32>
    %mul3A_126 = vector.broadcast %slice3A_124 : vector<256x1xf32> to vector<256x32xf32>
    %mul3A_127 = vector.broadcast %slice3A_125 : vector<1x32xf32> to vector<256x32xf32>
    %mul3A_128 = arith.mulf %mul3A_126, %mul3A_127 : vector<256x32xf32>
    %slice3A_129 = vector.extract_strided_slice %get3A_9 {offsets = [0, 1], sizes = [256, 1], strides = [1, 1]} : vector<256x3xf32> to vector<256x1xf32>
    %slice3A_130 = vector.extract_strided_slice %get3A_123 {offsets = [1, 0], sizes = [1, 32], strides = [1, 1]} : vector<19x32xf32> to vector<1x32xf32>
    %mul3A_131 = vector.broadcast %slice3A_129 : vector<256x1xf32> to vector<256x32xf32>
    %mul3A_132 = vector.broadcast %slice3A_130 : vector<1x32xf32> to vector<256x32xf32>
    %mul3A_133 = arith.mulf %mul3A_131, %mul3A_132 : vector<256x32xf32>
    %add3A_134 = arith.addf %mul3A_128, %mul3A_133 : vector<256x32xf32>
    %slice3A_135 = vector.extract_strided_slice %get3A_9 {offsets = [0, 2], sizes = [256, 1], strides = [1, 1]} : vector<256x3xf32> to vector<256x1xf32>
    %slice3A_136 = vector.extract_strided_slice %get3A_123 {offsets = [2, 0], sizes = [1, 32], strides = [1, 1]} : vector<19x32xf32> to vector<1x32xf32>
    %mul3A_137 = vector.broadcast %slice3A_135 : vector<256x1xf32> to vector<256x32xf32>
    %mul3A_138 = vector.broadcast %slice3A_136 : vector<1x32xf32> to vector<256x32xf32>
    %mul3A_139 = arith.mulf %mul3A_137, %mul3A_138 : vector<256x32xf32>
    %add3A_140 = arith.addf %add3A_134, %mul3A_139 : vector<256x32xf32>
    %get3A_141 = arith.constant 0 : index
    %get3A_142 = arith.constant 0 : index
    %get3A_143 = vector.load %arg7[%get3A_141, %get3A_142] : memref<1x32xf32, #tpu.memory_space<vmem>>, vector<1x32xf32>
    %sub3A_144 = vector.broadcast %get3A_143 : vector<1x32xf32> to vector<256x32xf32>
    %sub3A_145 = arith.subf %add3A_140, %sub3A_144 : vector<256x32xf32>
    %swap3A_146 = arith.constant 0 : index
    %swap3A_147 = arith.constant 0 : index
    %swap3A_148 = arith.constant 0 : index
    %swap3A_149 = vector.load %arg9[%swap3A_146, %swap3A_147, %swap3A_148] : memref<1x256x32xf32, #tpu.memory_space<vmem>>, vector<1x256x32xf32>
    %swap3A_150 = vector.shape_cast %swap3A_149 : vector<1x256x32xf32> to vector<256x32xf32>
    %swap3A_151 = vector.shape_cast %sub3A_145 : vector<256x32xf32> to vector<1x256x32xf32>
    tpu.vector_store %arg9[%swap3A_146, %swap3A_147, %swap3A_148], %swap3A_151 {strides = array<i32>} : memref<1x256x32xf32, #tpu.memory_space<vmem>>, vector<1x256x32xf32>,
    %get3A_152 = arith.constant 0 : index
    %get3A_153 = arith.constant 0 : index
    %get3A_154 = arith.constant 0 : index
    %get3A_155 = vector.load %arg3[%get3A_152, %get3A_153, %get3A_154] : memref<1x1024x3xf32, #tpu.memory_space<vmem>>, vector<1x1024x3xf32>
    %get3A_156 = vector.shape_cast %get3A_155 : vector<1x1024x3xf32> to vector<1024x3xf32>
    %get3A_157 = arith.constant 0 : index
    %get3A_158 = arith.constant 0 : index
    %get3A_159 = arith.constant 0 : index
    %get3A_160 = vector.load %arg4[%get3A_157, %get3A_158, %get3A_159] : memref<1x1024x16xf32, #tpu.memory_space<vmem>>, vector<1x1024x16xf32>
    %get3A_161 = vector.shape_cast %get3A_160 : vector<1x1024x16xf32> to vector<1024x16xf32>
    %slice3A_162 = vector.extract_strided_slice %get3A_156 {offsets = [0, 0], sizes = [1024, 1], strides = [1, 1]} : vector<1024x3xf32> to vector<1024x1xf32>
    %slice3A_163 = vector.extract_strided_slice %get3A_123 {offsets = [0, 0], sizes = [1, 32], strides = [1, 1]} : vector<19x32xf32> to vector<1x32xf32>
    %mul3A_164 = vector.broadcast %slice3A_162 : vector<1024x1xf32> to vector<1024x32xf32>
    %mul3A_165 = vector.broadcast %slice3A_163 : vector<1x32xf32> to vector<1024x32xf32>
    %mul3A_166 = arith.mulf %mul3A_164, %mul3A_165 : vector<1024x32xf32>
    %slice3A_167 = vector.extract_strided_slice %get3A_156 {offsets = [0, 1], sizes = [1024, 1], strides = [1, 1]} : vector<1024x3xf32> to vector<1024x1xf32>
    %slice3A_168 = vector.extract_strided_slice %get3A_123 {offsets = [1, 0], sizes = [1, 32], strides = [1, 1]} : vector<19x32xf32> to vector<1x32xf32>
    %mul3A_169 = vector.broadcast %slice3A_167 : vector<1024x1xf32> to vector<1024x32xf32>
    %mul3A_170 = vector.broadcast %slice3A_168 : vector<1x32xf32> to vector<1024x32xf32>
    %mul3A_171 = arith.mulf %mul3A_169, %mul3A_170 : vector<1024x32xf32>
    %add3A_172 = arith.addf %mul3A_166, %mul3A_171 : vector<1024x32xf32>
    %slice3A_173 = vector.extract_strided_slice %get3A_156 {offsets = [0, 2], sizes = [1024, 1], strides = [1, 1]} : vector<1024x3xf32> to vector<1024x1xf32>
    %slice3A_174 = vector.extract_strided_slice %get3A_123 {offsets = [2, 0], sizes = [1, 32], strides = [1, 1]} : vector<19x32xf32> to vector<1x32xf32>
    %mul3A_175 = vector.broadcast %slice3A_173 : vector<1024x1xf32> to vector<1024x32xf32>
    %mul3A_176 = vector.broadcast %slice3A_174 : vector<1x32xf32> to vector<1024x32xf32>
    %mul3A_177 = arith.mulf %mul3A_175, %mul3A_176 : vector<1024x32xf32>
    %add3A_178 = arith.addf %add3A_172, %mul3A_177 : vector<1024x32xf32>
    %slice3A_179 = vector.extract_strided_slice %get3A_123 {offsets = [3, 0], sizes = [16, 32], strides = [1, 1]} : vector<19x32xf32> to vector<16x32xf32>
    %dot_general3A = arith.constant dense<0.000000e+00> : vector<1024x32xf32>
    %dot_general3A_180 = tpu.matmul %get3A_161, %slice3A_179, %dot_general3A {dimension_numbers = #tpu.dot_dimension_numbers<[1], [0], [0], [1], [0, 0, 1, 1], [], []>, transpose_lhs_hint = false} : vector<1024x16xf32>, vector<16x32xf32>, vector<1024x32xf32> -> vector<1024x32xf32>
    %add3A_181 = arith.addf %add3A_178, %dot_general3A_180 : vector<1024x32xf32>
    %swap3A_182 = arith.constant 0 : index
    %swap3A_183 = arith.constant 0 : index
    %swap3A_184 = arith.constant 0 : index
    %swap3A_185 = vector.load %arg10[%swap3A_182, %swap3A_183, %swap3A_184] : memref<1x1024x32xf32, #tpu.memory_space<vmem>>, vector<1x1024x32xf32>
    %swap3A_186 = vector.shape_cast %swap3A_185 : vector<1x1024x32xf32> to vector<1024x32xf32>
    %swap3A_187 = vector.shape_cast %add3A_181 : vector<1024x32xf32> to vector<1x1024x32xf32>
    tpu.vector_store %arg10[%swap3A_182, %swap3A_183, %swap3A_184], %swap3A_187 {strides = array<i32>} : memref<1x1024x32xf32, #tpu.memory_space<vmem>>, vector<1x1024x32xf32>,
    return
  }
  func.func @transform_0(%arg0: i32, %arg1: i32) -> (i32, i32, i32, i32) {
    %c0_i32 = arith.constant 0 : i32
    %c0_i32_0 = arith.constant 0 : i32
    %c0_i32_1 = arith.constant 0 : i32
    %c0_i32_2 = arith.constant 0 : i32
    return %arg0, %c0_i32, %c0_i32_0, %c0_i32_1 : i32, i32, i32, i32
  }
  func.func @transform_1(%arg0: i32, %arg1: i32) -> (i32, i32, i32) {
    %c0_i32 = arith.constant 0 : i32
    %c0_i32_0 = arith.constant 0 : i32
    return %arg0, %arg1, %c0_i32 : i32, i32, i32
  }
  func.func @transform_2(%arg0: i32, %arg1: i32) -> (i32, i32, i32) {
    %c0_i32 = arith.constant 0 : i32
    %c0_i32_0 = arith.constant 0 : i32
    return %arg0, %arg1, %c0_i32 : i32, i32, i32
  }
  func.func @transform_3(%arg0: i32, %arg1: i32) -> (i32, i32, i32) {
    %c0_i32 = arith.constant 0 : i32
    %c0_i32_0 = arith.constant 0 : i32
    return %arg0, %arg1, %c0_i32 : i32, i32, i32
  }
  func.func @transform_4(%arg0: i32, %arg1: i32) -> (i32, i32) {
    %c0_i32 = arith.constant 0 : i32
    %c0_i32_0 = arith.constant 0 : i32
    %c0_i32_1 = arith.constant 0 : i32
    return %c0_i32, %c0_i32_0 : i32, i32
  }
  func.func @transform_5(%arg0: i32, %arg1: i32) -> (i32, i32) {
    %c0_i32 = arith.constant 0 : i32
    %c0_i32_0 = arith.constant 0 : i32
    %c0_i32_1 = arith.constant 0 : i32
    return %c0_i32, %c0_i32_0 : i32, i32
  }
  func.func @transform_6(%arg0: i32, %arg1: i32) -> (i32, i32, i32) {
    %c0_i32 = arith.constant 0 : i32
    %c0_i32_0 = arith.constant 0 : i32
    return %arg0, %arg1, %c0_i32 : i32, i32, i32
  }
  func.func @transform_7(%arg0: i32, %arg1: i32) -> (i32, i32, i32) {
    %c0_i32 = arith.constant 0 : i32
    %c0_i32_0 = arith.constant 0 : i32
    return %arg0, %arg1, %c0_i32 : i32, i32, i32
  }
  func.func @transform_8(%arg0: i32, %arg1: i32) -> (i32, i32, i32) {
    %c0_i32 = arith.constant 0 : i32
    %c0_i32_0 = arith.constant 0 : i32
    return %arg0, %arg1, %c0_i32 : i32, i32, i32
  }
}

module attributes {stable_mosaic.version = 14 : i64} {
  func.func @_k3_body(%arg0: i32, %arg1: memref<256x32x32xf32, #tpu.memory_space<vmem>>, %arg2: memref<256x32xf32, #tpu.memory_space<vmem>>, %arg3: memref<8x32xf32, #tpu.memory_space<vmem>>) attributes {dimension_semantics = [#tpu.dimension_semantics<arbitrary>], iteration_bounds = array<i64: 32>, scalar_prefetch = 0 : i64, scratch_operands = 0 : i64, tpu.core_type = #tpu.core_type<tc>, window_params = [{transform_indices = @transform_0, window_bounds = array<i64: 256, 32, 32>}, {transform_indices = @transform_1, window_bounds = array<i64: 256, 32>}, {pipeline_mode = #tpu.pipeline_mode<synchronous>, transform_indices = @transform_2, window_bounds = array<i64: 8, 32>}]} {
    %get3A = arith.constant 0 : index
    %get3A_0 = arith.constant 0 : index
    %get3A_1 = arith.constant 0 : index
    %get3A_2 = vector.load %arg1[%get3A, %get3A_0, %get3A_1] : memref<256x32x32xf32, #tpu.memory_space<vmem>>, vector<256x32x32xf32>
    %get3A_3 = arith.constant 0 : index
    %get3A_4 = arith.constant 0 : index
    %get3A_5 = vector.load %arg2[%get3A_3, %get3A_4] : memref<256x32xf32, #tpu.memory_space<vmem>>, vector<256x32xf32>
    %broadcast_in_dim3A = vector.shape_cast %get3A_5 : vector<256x32xf32> to vector<256x1x32xf32>
    %sub3A = vector.broadcast %broadcast_in_dim3A : vector<256x1x32xf32> to vector<256x32x32xf32>
    %sub3A_6 = arith.subf %get3A_2, %sub3A : vector<256x32x32xf32>
    %reduce_sum3A = arith.constant dense<0.000000e+00> : vector<32x32xf32>
    %reduce_sum3A_7 = vector.multi_reduction <add>, %sub3A_6, %reduce_sum3A [0] : vector<256x32x32xf32> to vector<32x32xf32>
    %reduce_sum3A_8 = arith.constant dense<0.000000e+00> : vector<32xf32>
    %reduce_sum3A_9 = vector.multi_reduction <add>, %reduce_sum3A_7, %reduce_sum3A_8 [0] : vector<32x32xf32> to vector<32xf32>
    %mul3A = arith.mulf %sub3A_6, %sub3A_6 : vector<256x32x32xf32>
    %reduce_sum3A_10 = arith.constant dense<0.000000e+00> : vector<32x32xf32>
    %reduce_sum3A_11 = vector.multi_reduction <add>, %mul3A, %reduce_sum3A_10 [0] : vector<256x32x32xf32> to vector<32x32xf32>
    %reduce_sum3A_12 = arith.constant dense<0.000000e+00> : vector<32xf32>
    %reduce_sum3A_13 = vector.multi_reduction <add>, %reduce_sum3A_11, %reduce_sum3A_12 [0] : vector<32x32xf32> to vector<32xf32>
    %eq3A = arith.constant 0 : i32
    %eq3A_14 = arith.cmpi eq, %arg0, %eq3A : i32
    %convert_element_type3A = arith.extui %eq3A_14 : i1 to i32
    %cond3A = arith.constant 0 : i32
    %cond3A_15 = arith.cmpi ne, %convert_element_type3A, %cond3A : i32
    scf.if %cond3A_15 {
      %broadcast_in_dim3A_30 = arith.constant 0.000000e+00 : f32
      %broadcast_in_dim3A_31 = vector.broadcast %broadcast_in_dim3A_30 : f32 to vector<8x32xf32>
      %swap3A_32 = arith.constant 0 : index
      %swap3A_33 = arith.constant 0 : index
      %swap3A_34 = vector.load %arg3[%swap3A_32, %swap3A_33] : memref<8x32xf32, #tpu.memory_space<vmem>>, vector<8x32xf32>
      tpu.vector_store %arg3[%swap3A_32, %swap3A_33], %broadcast_in_dim3A_31 {strides = array<i32>} : memref<8x32xf32, #tpu.memory_space<vmem>>, vector<8x32xf32>,
    } else {
    }
    %get3A_16 = arith.constant 0 : index
    %get3A_17 = arith.constant 0 : index
    %get3A_18 = vector.load %arg3[%get3A_16, %get3A_17] : memref<8x32xf32, #tpu.memory_space<vmem>>, vector<1x32xf32>
    %broadcast_in_dim3A_19 = vector.shape_cast %reduce_sum3A_9 : vector<32xf32> to vector<1x32xf32>
    %add3A = arith.addf %get3A_18, %broadcast_in_dim3A_19 : vector<1x32xf32>
    %swap3A = arith.constant 0 : index
    %swap3A_20 = arith.constant 0 : index
    %swap3A_21 = vector.load %arg3[%swap3A, %swap3A_20] : memref<8x32xf32, #tpu.memory_space<vmem>>, vector<1x32xf32>
    tpu.vector_store %arg3[%swap3A, %swap3A_20], %add3A {strides = array<i32>} : memref<8x32xf32, #tpu.memory_space<vmem>>, vector<1x32xf32>,
    %get3A_22 = arith.constant 1 : index
    %get3A_23 = arith.constant 0 : index
    %get3A_24 = vector.load %arg3[%get3A_22, %get3A_23] : memref<8x32xf32, #tpu.memory_space<vmem>>, vector<1x32xf32>
    %broadcast_in_dim3A_25 = vector.shape_cast %reduce_sum3A_13 : vector<32xf32> to vector<1x32xf32>
    %add3A_26 = arith.addf %get3A_24, %broadcast_in_dim3A_25 : vector<1x32xf32>
    %swap3A_27 = arith.constant 1 : index
    %swap3A_28 = arith.constant 0 : index
    %swap3A_29 = vector.load %arg3[%swap3A_27, %swap3A_28] : memref<8x32xf32, #tpu.memory_space<vmem>>, vector<1x32xf32>
    tpu.vector_store %arg3[%swap3A_27, %swap3A_28], %add3A_26 {strides = array<i32>} : memref<8x32xf32, #tpu.memory_space<vmem>>, vector<1x32xf32>,
    return
  }
  func.func @transform_0(%arg0: i32) -> (i32, i32, i32) {
    %c0_i32 = arith.constant 0 : i32
    %c0_i32_0 = arith.constant 0 : i32
    %c0_i32_1 = arith.constant 0 : i32
    return %arg0, %c0_i32, %c0_i32_0 : i32, i32, i32
  }
  func.func @transform_1(%arg0: i32) -> (i32, i32) {
    %c0_i32 = arith.constant 0 : i32
    %c0_i32_0 = arith.constant 0 : i32
    return %arg0, %c0_i32 : i32, i32
  }
  func.func @transform_2(%arg0: i32) -> (i32, i32) {
    %c0_i32 = arith.constant 0 : i32
    %c0_i32_0 = arith.constant 0 : i32
    %c0_i32_1 = arith.constant 0 : i32
    return %c0_i32, %c0_i32_0 : i32, i32
  }
}

module attributes {stable_mosaic.version = 14 : i64} {
  func.func @_k4_body(%arg0: i32, %arg1: memref<256x32x32xf32, #tpu.memory_space<vmem>>, %arg2: memref<256x32xf32, #tpu.memory_space<vmem>>, %arg3: memref<1x32xf32, #tpu.memory_space<vmem>>, %arg4: memref<1x32xf32, #tpu.memory_space<vmem>>, %arg5: memref<32x64xf32, #tpu.memory_space<vmem>>, %arg6: memref<1x64xf32, #tpu.memory_space<vmem>>, %arg7: memref<8x64xf32, #tpu.memory_space<vmem>>) attributes {dimension_semantics = [#tpu.dimension_semantics<arbitrary>], iteration_bounds = array<i64: 32>, scalar_prefetch = 0 : i64, scratch_operands = 0 : i64, tpu.core_type = #tpu.core_type<tc>, window_params = [{transform_indices = @transform_0, window_bounds = array<i64: 256, 32, 32>}, {transform_indices = @transform_1, window_bounds = array<i64: 256, 32>}, {pipeline_mode = #tpu.pipeline_mode<synchronous>, transform_indices = @transform_2, window_bounds = array<i64: 1, 32>}, {pipeline_mode = #tpu.pipeline_mode<synchronous>, transform_indices = @transform_3, window_bounds = array<i64: 1, 32>}, {pipeline_mode = #tpu.pipeline_mode<synchronous>, transform_indices = @transform_4, window_bounds = array<i64: 32, 64>}, {pipeline_mode = #tpu.pipeline_mode<synchronous>, transform_indices = @transform_5, window_bounds = array<i64: 1, 64>}, {pipeline_mode = #tpu.pipeline_mode<synchronous>, transform_indices = @transform_6, window_bounds = array<i64: 8, 64>}]} {
    %get3A = arith.constant 0 : index
    %get3A_0 = arith.constant 0 : index
    %get3A_1 = arith.constant 0 : index
    %get3A_2 = vector.load %arg1[%get3A, %get3A_0, %get3A_1] : memref<256x32x32xf32, #tpu.memory_space<vmem>>, vector<256x32x32xf32>
    %get3A_3 = arith.constant 0 : index
    %get3A_4 = arith.constant 0 : index
    %get3A_5 = vector.load %arg2[%get3A_3, %get3A_4] : memref<256x32xf32, #tpu.memory_space<vmem>>, vector<256x32xf32>
    %broadcast_in_dim3A = vector.shape_cast %get3A_5 : vector<256x32xf32> to vector<256x1x32xf32>
    %sub3A = vector.broadcast %broadcast_in_dim3A : vector<256x1x32xf32> to vector<256x32x32xf32>
    %sub3A_6 = arith.subf %get3A_2, %sub3A : vector<256x32x32xf32>
    %get3A_7 = arith.constant 0 : index
    %get3A_8 = arith.constant 0 : index
    %get3A_9 = vector.load %arg3[%get3A_7, %get3A_8] : memref<1x32xf32, #tpu.memory_space<vmem>>, vector<1x32xf32>
    %get3A_10 = vector.shape_cast %get3A_9 : vector<1x32xf32> to vector<32xf32>
    %broadcast_in_dim3A_11 = vector.shape_cast %get3A_10 : vector<32xf32> to vector<1x1x32xf32>
    %mul3A = vector.broadcast %broadcast_in_dim3A_11 : vector<1x1x32xf32> to vector<256x32x32xf32>
    %mul3A_12 = arith.mulf %sub3A_6, %mul3A : vector<256x32x32xf32>
    %get3A_13 = arith.constant 0 : index
    %get3A_14 = arith.constant 0 : index
    %get3A_15 = vector.load %arg4[%get3A_13, %get3A_14] : memref<1x32xf32, #tpu.memory_space<vmem>>, vector<1x32xf32>
    %get3A_16 = vector.shape_cast %get3A_15 : vector<1x32xf32> to vector<32xf32>
    %broadcast_in_dim3A_17 = vector.shape_cast %get3A_16 : vector<32xf32> to vector<1x1x32xf32>
    %add3A = vector.broadcast %broadcast_in_dim3A_17 : vector<1x1x32xf32> to vector<256x32x32xf32>
    %add3A_18 = arith.addf %mul3A_12, %add3A : vector<256x32x32xf32>
    %max3A = arith.constant 0.000000e+00 : f32
    %max3A_19 = vector.broadcast %max3A : f32 to vector<256x32x32xf32>
    %max3A_20 = arith.maximumf %add3A_18, %max3A_19 : vector<256x32x32xf32>
    %reshape3A = vector.shape_cast %max3A_20 : vector<256x32x32xf32> to vector<8192x32xf32>
    %get3A_21 = arith.constant 0 : index
    %get3A_22 = arith.constant 0 : index
    %get3A_23 = vector.load %arg5[%get3A_21, %get3A_22] : memref<32x64xf32, #tpu.memory_space<vmem>>, vector<32x64xf32>
    %dot_general3A = arith.constant dense<0.000000e+00> : vector<8192x64xf32>
    %dot_general3A_24 = tpu.matmul %reshape3A, %get3A_23, %dot_general3A {dimension_numbers = #tpu.dot_dimension_numbers<[1], [0], [0], [1], [0, 0, 1, 1], [], []>, transpose_lhs_hint = false} : vector<8192x32xf32>, vector<32x64xf32>, vector<8192x64xf32> -> vector<8192x64xf32>
    %get3A_25 = arith.constant 0 : index
    %get3A_26 = arith.constant 0 : index
    %get3A_27 = vector.load %arg6[%get3A_25, %get3A_26] : memref<1x64xf32, #tpu.memory_space<vmem>>, vector<1x64xf32>
    %add3A_28 = vector.broadcast %get3A_27 : vector<1x64xf32> to vector<8192x64xf32>
    %add3A_29 = arith.addf %dot_general3A_24, %add3A_28 : vector<8192x64xf32>
    %reduce_sum3A = arith.constant dense<0.000000e+00> : vector<64xf32>
    %reduce_sum3A_30 = vector.multi_reduction <add>, %add3A_29, %reduce_sum3A [0] : vector<8192x64xf32> to vector<64xf32>
    %mul3A_31 = arith.mulf %add3A_29, %add3A_29 : vector<8192x64xf32>
    %reduce_sum3A_32 = arith.constant dense<0.000000e+00> : vector<64xf32>
    %reduce_sum3A_33 = vector.multi_reduction <add>, %mul3A_31, %reduce_sum3A_32 [0] : vector<8192x64xf32> to vector<64xf32>
    %eq3A = arith.constant 0 : i32
    %eq3A_34 = arith.cmpi eq, %arg0, %eq3A : i32
    %convert_element_type3A = arith.extui %eq3A_34 : i1 to i32
    %cond3A = arith.constant 0 : i32
    %cond3A_35 = arith.cmpi ne, %convert_element_type3A, %cond3A : i32
    scf.if %cond3A_35 {
      %broadcast_in_dim3A_51 = arith.constant 0.000000e+00 : f32
      %broadcast_in_dim3A_52 = vector.broadcast %broadcast_in_dim3A_51 : f32 to vector<8x64xf32>
      %swap3A_53 = arith.constant 0 : index
      %swap3A_54 = arith.constant 0 : index
      %swap3A_55 = vector.load %arg7[%swap3A_53, %swap3A_54] : memref<8x64xf32, #tpu.memory_space<vmem>>, vector<8x64xf32>
      tpu.vector_store %arg7[%swap3A_53, %swap3A_54], %broadcast_in_dim3A_52 {strides = array<i32>} : memref<8x64xf32, #tpu.memory_space<vmem>>, vector<8x64xf32>,
    } else {
    }
    %get3A_36 = arith.constant 0 : index
    %get3A_37 = arith.constant 0 : index
    %get3A_38 = vector.load %arg7[%get3A_36, %get3A_37] : memref<8x64xf32, #tpu.memory_space<vmem>>, vector<1x64xf32>
    %broadcast_in_dim3A_39 = vector.shape_cast %reduce_sum3A_30 : vector<64xf32> to vector<1x64xf32>
    %add3A_40 = arith.addf %get3A_38, %broadcast_in_dim3A_39 : vector<1x64xf32>
    %swap3A = arith.constant 0 : index
    %swap3A_41 = arith.constant 0 : index
    %swap3A_42 = vector.load %arg7[%swap3A, %swap3A_41] : memref<8x64xf32, #tpu.memory_space<vmem>>, vector<1x64xf32>
    tpu.vector_store %arg7[%swap3A, %swap3A_41], %add3A_40 {strides = array<i32>} : memref<8x64xf32, #tpu.memory_space<vmem>>, vector<1x64xf32>,
    %get3A_43 = arith.constant 1 : index
    %get3A_44 = arith.constant 0 : index
    %get3A_45 = vector.load %arg7[%get3A_43, %get3A_44] : memref<8x64xf32, #tpu.memory_space<vmem>>, vector<1x64xf32>
    %broadcast_in_dim3A_46 = vector.shape_cast %reduce_sum3A_33 : vector<64xf32> to vector<1x64xf32>
    %add3A_47 = arith.addf %get3A_45, %broadcast_in_dim3A_46 : vector<1x64xf32>
    %swap3A_48 = arith.constant 1 : index
    %swap3A_49 = arith.constant 0 : index
    %swap3A_50 = vector.load %arg7[%swap3A_48, %swap3A_49] : memref<8x64xf32, #tpu.memory_space<vmem>>, vector<1x64xf32>
    tpu.vector_store %arg7[%swap3A_48, %swap3A_49], %add3A_47 {strides = array<i32>} : memref<8x64xf32, #tpu.memory_space<vmem>>, vector<1x64xf32>,
    return
  }
  func.func @transform_0(%arg0: i32) -> (i32, i32, i32) {
    %c0_i32 = arith.constant 0 : i32
    %c0_i32_0 = arith.constant 0 : i32
    %c0_i32_1 = arith.constant 0 : i32
    return %arg0, %c0_i32, %c0_i32_0 : i32, i32, i32
  }
  func.func @transform_1(%arg0: i32) -> (i32, i32) {
    %c0_i32 = arith.constant 0 : i32
    %c0_i32_0 = arith.constant 0 : i32
    return %arg0, %c0_i32 : i32, i32
  }
  func.func @transform_2(%arg0: i32) -> (i32, i32) {
    %c0_i32 = arith.constant 0 : i32
    %c0_i32_0 = arith.constant 0 : i32
    %c0_i32_1 = arith.constant 0 : i32
    return %c0_i32, %c0_i32_0 : i32, i32
  }
  func.func @transform_3(%arg0: i32) -> (i32, i32) {
    %c0_i32 = arith.constant 0 : i32
    %c0_i32_0 = arith.constant 0 : i32
    %c0_i32_1 = arith.constant 0 : i32
    return %c0_i32, %c0_i32_0 : i32, i32
  }
  func.func @transform_4(%arg0: i32) -> (i32, i32) {
    %c0_i32 = arith.constant 0 : i32
    %c0_i32_0 = arith.constant 0 : i32
    %c0_i32_1 = arith.constant 0 : i32
    return %c0_i32, %c0_i32_0 : i32, i32
  }
  func.func @transform_5(%arg0: i32) -> (i32, i32) {
    %c0_i32 = arith.constant 0 : i32
    %c0_i32_0 = arith.constant 0 : i32
    %c0_i32_1 = arith.constant 0 : i32
    return %c0_i32, %c0_i32_0 : i32, i32
  }
  func.func @transform_6(%arg0: i32) -> (i32, i32) {
    %c0_i32 = arith.constant 0 : i32
    %c0_i32_0 = arith.constant 0 : i32
    %c0_i32_1 = arith.constant 0 : i32
    return %c0_i32, %c0_i32_0 : i32, i32
  }
}

module attributes {stable_mosaic.version = 14 : i64} {
  func.func @_k5_body(%arg0: i32, %arg1: memref<256x32x32xf32, #tpu.memory_space<vmem>>, %arg2: memref<256x32xf32, #tpu.memory_space<vmem>>, %arg3: memref<1x32xf32, #tpu.memory_space<vmem>>, %arg4: memref<1x32xf32, #tpu.memory_space<vmem>>, %arg5: memref<32x64xf32, #tpu.memory_space<vmem>>, %arg6: memref<1x64xf32, #tpu.memory_space<vmem>>, %arg7: memref<1x64xf32, #tpu.memory_space<vmem>>, %arg8: memref<1x64xf32, #tpu.memory_space<vmem>>, %arg9: memref<256x64xf32, #tpu.memory_space<vmem>>) attributes {dimension_semantics = [#tpu.dimension_semantics<arbitrary>], iteration_bounds = array<i64: 32>, scalar_prefetch = 0 : i64, scratch_operands = 0 : i64, tpu.core_type = #tpu.core_type<tc>, window_params = [{transform_indices = @transform_0, window_bounds = array<i64: 256, 32, 32>}, {transform_indices = @transform_1, window_bounds = array<i64: 256, 32>}, {pipeline_mode = #tpu.pipeline_mode<synchronous>, transform_indices = @transform_2, window_bounds = array<i64: 1, 32>}, {pipeline_mode = #tpu.pipeline_mode<synchronous>, transform_indices = @transform_3, window_bounds = array<i64: 1, 32>}, {pipeline_mode = #tpu.pipeline_mode<synchronous>, transform_indices = @transform_4, window_bounds = array<i64: 32, 64>}, {pipeline_mode = #tpu.pipeline_mode<synchronous>, transform_indices = @transform_5, window_bounds = array<i64: 1, 64>}, {pipeline_mode = #tpu.pipeline_mode<synchronous>, transform_indices = @transform_6, window_bounds = array<i64: 1, 64>}, {pipeline_mode = #tpu.pipeline_mode<synchronous>, transform_indices = @transform_7, window_bounds = array<i64: 1, 64>}, {transform_indices = @transform_8, window_bounds = array<i64: 256, 64>}]} {
    %get3A = arith.constant 0 : index
    %get3A_0 = arith.constant 0 : index
    %get3A_1 = arith.constant 0 : index
    %get3A_2 = vector.load %arg1[%get3A, %get3A_0, %get3A_1] : memref<256x32x32xf32, #tpu.memory_space<vmem>>, vector<256x32x32xf32>
    %get3A_3 = arith.constant 0 : index
    %get3A_4 = arith.constant 0 : index
    %get3A_5 = vector.load %arg2[%get3A_3, %get3A_4] : memref<256x32xf32, #tpu.memory_space<vmem>>, vector<256x32xf32>
    %broadcast_in_dim3A = vector.shape_cast %get3A_5 : vector<256x32xf32> to vector<256x1x32xf32>
    %sub3A = vector.broadcast %broadcast_in_dim3A : vector<256x1x32xf32> to vector<256x32x32xf32>
    %sub3A_6 = arith.subf %get3A_2, %sub3A : vector<256x32x32xf32>
    %get3A_7 = arith.constant 0 : index
    %get3A_8 = arith.constant 0 : index
    %get3A_9 = vector.load %arg3[%get3A_7, %get3A_8] : memref<1x32xf32, #tpu.memory_space<vmem>>, vector<1x32xf32>
    %get3A_10 = vector.shape_cast %get3A_9 : vector<1x32xf32> to vector<32xf32>
    %broadcast_in_dim3A_11 = vector.shape_cast %get3A_10 : vector<32xf32> to vector<1x1x32xf32>
    %mul3A = vector.broadcast %broadcast_in_dim3A_11 : vector<1x1x32xf32> to vector<256x32x32xf32>
    %mul3A_12 = arith.mulf %sub3A_6, %mul3A : vector<256x32x32xf32>
    %get3A_13 = arith.constant 0 : index
    %get3A_14 = arith.constant 0 : index
    %get3A_15 = vector.load %arg4[%get3A_13, %get3A_14] : memref<1x32xf32, #tpu.memory_space<vmem>>, vector<1x32xf32>
    %get3A_16 = vector.shape_cast %get3A_15 : vector<1x32xf32> to vector<32xf32>
    %broadcast_in_dim3A_17 = vector.shape_cast %get3A_16 : vector<32xf32> to vector<1x1x32xf32>
    %add3A = vector.broadcast %broadcast_in_dim3A_17 : vector<1x1x32xf32> to vector<256x32x32xf32>
    %add3A_18 = arith.addf %mul3A_12, %add3A : vector<256x32x32xf32>
    %max3A = arith.constant 0.000000e+00 : f32
    %max3A_19 = vector.broadcast %max3A : f32 to vector<256x32x32xf32>
    %max3A_20 = arith.maximumf %add3A_18, %max3A_19 : vector<256x32x32xf32>
    %reshape3A = vector.shape_cast %max3A_20 : vector<256x32x32xf32> to vector<8192x32xf32>
    %get3A_21 = arith.constant 0 : index
    %get3A_22 = arith.constant 0 : index
    %get3A_23 = vector.load %arg5[%get3A_21, %get3A_22] : memref<32x64xf32, #tpu.memory_space<vmem>>, vector<32x64xf32>
    %dot_general3A = arith.constant dense<0.000000e+00> : vector<8192x64xf32>
    %dot_general3A_24 = tpu.matmul %reshape3A, %get3A_23, %dot_general3A {dimension_numbers = #tpu.dot_dimension_numbers<[1], [0], [0], [1], [0, 0, 1, 1], [], []>, transpose_lhs_hint = false} : vector<8192x32xf32>, vector<32x64xf32>, vector<8192x64xf32> -> vector<8192x64xf32>
    %get3A_25 = arith.constant 0 : index
    %get3A_26 = arith.constant 0 : index
    %get3A_27 = vector.load %arg6[%get3A_25, %get3A_26] : memref<1x64xf32, #tpu.memory_space<vmem>>, vector<1x64xf32>
    %add3A_28 = vector.broadcast %get3A_27 : vector<1x64xf32> to vector<8192x64xf32>
    %add3A_29 = arith.addf %dot_general3A_24, %add3A_28 : vector<8192x64xf32>
    %get3A_30 = arith.constant 0 : index
    %get3A_31 = arith.constant 0 : index
    %get3A_32 = vector.load %arg7[%get3A_30, %get3A_31] : memref<1x64xf32, #tpu.memory_space<vmem>>, vector<1x64xf32>
    %mul3A_33 = vector.broadcast %get3A_32 : vector<1x64xf32> to vector<8192x64xf32>
    %mul3A_34 = arith.mulf %add3A_29, %mul3A_33 : vector<8192x64xf32>
    %get3A_35 = arith.constant 0 : index
    %get3A_36 = arith.constant 0 : index
    %get3A_37 = vector.load %arg8[%get3A_35, %get3A_36] : memref<1x64xf32, #tpu.memory_space<vmem>>, vector<1x64xf32>
    %add3A_38 = vector.broadcast %get3A_37 : vector<1x64xf32> to vector<8192x64xf32>
    %add3A_39 = arith.addf %mul3A_34, %add3A_38 : vector<8192x64xf32>
    %max3A_40 = arith.constant 0.000000e+00 : f32
    %max3A_41 = vector.broadcast %max3A_40 : f32 to vector<8192x64xf32>
    %max3A_42 = arith.maximumf %add3A_39, %max3A_41 : vector<8192x64xf32>
    %reshape3A_43 = vector.shape_cast %max3A_42 : vector<8192x64xf32> to vector<256x32x64xf32>
    %slice3A = vector.extract_strided_slice %reshape3A_43 {offsets = [0, 0, 0], sizes = [256, 1, 64], strides = [1, 1, 1]} : vector<256x32x64xf32> to vector<256x1x64xf32>
    %squeeze3A = vector.shape_cast %slice3A : vector<256x1x64xf32> to vector<256x64xf32>
    %slice3A_44 = vector.extract_strided_slice %reshape3A_43 {offsets = [0, 1, 0], sizes = [256, 1, 64], strides = [1, 1, 1]} : vector<256x32x64xf32> to vector<256x1x64xf32>
    %squeeze3A_45 = vector.shape_cast %slice3A_44 : vector<256x1x64xf32> to vector<256x64xf32>
    %max3A_46 = arith.maximumf %squeeze3A, %squeeze3A_45 : vector<256x64xf32>
    %slice3A_47 = vector.extract_strided_slice %reshape3A_43 {offsets = [0, 2, 0], sizes = [256, 1, 64], strides = [1, 1, 1]} : vector<256x32x64xf32> to vector<256x1x64xf32>
    %squeeze3A_48 = vector.shape_cast %slice3A_47 : vector<256x1x64xf32> to vector<256x64xf32>
    %max3A_49 = arith.maximumf %max3A_46, %squeeze3A_48 : vector<256x64xf32>
    %slice3A_50 = vector.extract_strided_slice %reshape3A_43 {offsets = [0, 3, 0], sizes = [256, 1, 64], strides = [1, 1, 1]} : vector<256x32x64xf32> to vector<256x1x64xf32>
    %squeeze3A_51 = vector.shape_cast %slice3A_50 : vector<256x1x64xf32> to vector<256x64xf32>
    %max3A_52 = arith.maximumf %max3A_49, %squeeze3A_51 : vector<256x64xf32>
    %slice3A_53 = vector.extract_strided_slice %reshape3A_43 {offsets = [0, 4, 0], sizes = [256, 1, 64], strides = [1, 1, 1]} : vector<256x32x64xf32> to vector<256x1x64xf32>
    %squeeze3A_54 = vector.shape_cast %slice3A_53 : vector<256x1x64xf32> to vector<256x64xf32>
    %max3A_55 = arith.maximumf %max3A_52, %squeeze3A_54 : vector<256x64xf32>
    %slice3A_56 = vector.extract_strided_slice %reshape3A_43 {offsets = [0, 5, 0], sizes = [256, 1, 64], strides = [1, 1, 1]} : vector<256x32x64xf32> to vector<256x1x64xf32>
    %squeeze3A_57 = vector.shape_cast %slice3A_56 : vector<256x1x64xf32> to vector<256x64xf32>
    %max3A_58 = arith.maximumf %max3A_55, %squeeze3A_57 : vector<256x64xf32>
    %slice3A_59 = vector.extract_strided_slice %reshape3A_43 {offsets = [0, 6, 0], sizes = [256, 1, 64], strides = [1, 1, 1]} : vector<256x32x64xf32> to vector<256x1x64xf32>
    %squeeze3A_60 = vector.shape_cast %slice3A_59 : vector<256x1x64xf32> to vector<256x64xf32>
    %max3A_61 = arith.maximumf %max3A_58, %squeeze3A_60 : vector<256x64xf32>
    %slice3A_62 = vector.extract_strided_slice %reshape3A_43 {offsets = [0, 7, 0], sizes = [256, 1, 64], strides = [1, 1, 1]} : vector<256x32x64xf32> to vector<256x1x64xf32>
    %squeeze3A_63 = vector.shape_cast %slice3A_62 : vector<256x1x64xf32> to vector<256x64xf32>
    %max3A_64 = arith.maximumf %max3A_61, %squeeze3A_63 : vector<256x64xf32>
    %slice3A_65 = vector.extract_strided_slice %reshape3A_43 {offsets = [0, 8, 0], sizes = [256, 1, 64], strides = [1, 1, 1]} : vector<256x32x64xf32> to vector<256x1x64xf32>
    %squeeze3A_66 = vector.shape_cast %slice3A_65 : vector<256x1x64xf32> to vector<256x64xf32>
    %max3A_67 = arith.maximumf %max3A_64, %squeeze3A_66 : vector<256x64xf32>
    %slice3A_68 = vector.extract_strided_slice %reshape3A_43 {offsets = [0, 9, 0], sizes = [256, 1, 64], strides = [1, 1, 1]} : vector<256x32x64xf32> to vector<256x1x64xf32>
    %squeeze3A_69 = vector.shape_cast %slice3A_68 : vector<256x1x64xf32> to vector<256x64xf32>
    %max3A_70 = arith.maximumf %max3A_67, %squeeze3A_69 : vector<256x64xf32>
    %slice3A_71 = vector.extract_strided_slice %reshape3A_43 {offsets = [0, 10, 0], sizes = [256, 1, 64], strides = [1, 1, 1]} : vector<256x32x64xf32> to vector<256x1x64xf32>
    %squeeze3A_72 = vector.shape_cast %slice3A_71 : vector<256x1x64xf32> to vector<256x64xf32>
    %max3A_73 = arith.maximumf %max3A_70, %squeeze3A_72 : vector<256x64xf32>
    %slice3A_74 = vector.extract_strided_slice %reshape3A_43 {offsets = [0, 11, 0], sizes = [256, 1, 64], strides = [1, 1, 1]} : vector<256x32x64xf32> to vector<256x1x64xf32>
    %squeeze3A_75 = vector.shape_cast %slice3A_74 : vector<256x1x64xf32> to vector<256x64xf32>
    %max3A_76 = arith.maximumf %max3A_73, %squeeze3A_75 : vector<256x64xf32>
    %slice3A_77 = vector.extract_strided_slice %reshape3A_43 {offsets = [0, 12, 0], sizes = [256, 1, 64], strides = [1, 1, 1]} : vector<256x32x64xf32> to vector<256x1x64xf32>
    %squeeze3A_78 = vector.shape_cast %slice3A_77 : vector<256x1x64xf32> to vector<256x64xf32>
    %max3A_79 = arith.maximumf %max3A_76, %squeeze3A_78 : vector<256x64xf32>
    %slice3A_80 = vector.extract_strided_slice %reshape3A_43 {offsets = [0, 13, 0], sizes = [256, 1, 64], strides = [1, 1, 1]} : vector<256x32x64xf32> to vector<256x1x64xf32>
    %squeeze3A_81 = vector.shape_cast %slice3A_80 : vector<256x1x64xf32> to vector<256x64xf32>
    %max3A_82 = arith.maximumf %max3A_79, %squeeze3A_81 : vector<256x64xf32>
    %slice3A_83 = vector.extract_strided_slice %reshape3A_43 {offsets = [0, 14, 0], sizes = [256, 1, 64], strides = [1, 1, 1]} : vector<256x32x64xf32> to vector<256x1x64xf32>
    %squeeze3A_84 = vector.shape_cast %slice3A_83 : vector<256x1x64xf32> to vector<256x64xf32>
    %max3A_85 = arith.maximumf %max3A_82, %squeeze3A_84 : vector<256x64xf32>
    %slice3A_86 = vector.extract_strided_slice %reshape3A_43 {offsets = [0, 15, 0], sizes = [256, 1, 64], strides = [1, 1, 1]} : vector<256x32x64xf32> to vector<256x1x64xf32>
    %squeeze3A_87 = vector.shape_cast %slice3A_86 : vector<256x1x64xf32> to vector<256x64xf32>
    %max3A_88 = arith.maximumf %max3A_85, %squeeze3A_87 : vector<256x64xf32>
    %slice3A_89 = vector.extract_strided_slice %reshape3A_43 {offsets = [0, 16, 0], sizes = [256, 1, 64], strides = [1, 1, 1]} : vector<256x32x64xf32> to vector<256x1x64xf32>
    %squeeze3A_90 = vector.shape_cast %slice3A_89 : vector<256x1x64xf32> to vector<256x64xf32>
    %max3A_91 = arith.maximumf %max3A_88, %squeeze3A_90 : vector<256x64xf32>
    %slice3A_92 = vector.extract_strided_slice %reshape3A_43 {offsets = [0, 17, 0], sizes = [256, 1, 64], strides = [1, 1, 1]} : vector<256x32x64xf32> to vector<256x1x64xf32>
    %squeeze3A_93 = vector.shape_cast %slice3A_92 : vector<256x1x64xf32> to vector<256x64xf32>
    %max3A_94 = arith.maximumf %max3A_91, %squeeze3A_93 : vector<256x64xf32>
    %slice3A_95 = vector.extract_strided_slice %reshape3A_43 {offsets = [0, 18, 0], sizes = [256, 1, 64], strides = [1, 1, 1]} : vector<256x32x64xf32> to vector<256x1x64xf32>
    %squeeze3A_96 = vector.shape_cast %slice3A_95 : vector<256x1x64xf32> to vector<256x64xf32>
    %max3A_97 = arith.maximumf %max3A_94, %squeeze3A_96 : vector<256x64xf32>
    %slice3A_98 = vector.extract_strided_slice %reshape3A_43 {offsets = [0, 19, 0], sizes = [256, 1, 64], strides = [1, 1, 1]} : vector<256x32x64xf32> to vector<256x1x64xf32>
    %squeeze3A_99 = vector.shape_cast %slice3A_98 : vector<256x1x64xf32> to vector<256x64xf32>
    %max3A_100 = arith.maximumf %max3A_97, %squeeze3A_99 : vector<256x64xf32>
    %slice3A_101 = vector.extract_strided_slice %reshape3A_43 {offsets = [0, 20, 0], sizes = [256, 1, 64], strides = [1, 1, 1]} : vector<256x32x64xf32> to vector<256x1x64xf32>
    %squeeze3A_102 = vector.shape_cast %slice3A_101 : vector<256x1x64xf32> to vector<256x64xf32>
    %max3A_103 = arith.maximumf %max3A_100, %squeeze3A_102 : vector<256x64xf32>
    %slice3A_104 = vector.extract_strided_slice %reshape3A_43 {offsets = [0, 21, 0], sizes = [256, 1, 64], strides = [1, 1, 1]} : vector<256x32x64xf32> to vector<256x1x64xf32>
    %squeeze3A_105 = vector.shape_cast %slice3A_104 : vector<256x1x64xf32> to vector<256x64xf32>
    %max3A_106 = arith.maximumf %max3A_103, %squeeze3A_105 : vector<256x64xf32>
    %slice3A_107 = vector.extract_strided_slice %reshape3A_43 {offsets = [0, 22, 0], sizes = [256, 1, 64], strides = [1, 1, 1]} : vector<256x32x64xf32> to vector<256x1x64xf32>
    %squeeze3A_108 = vector.shape_cast %slice3A_107 : vector<256x1x64xf32> to vector<256x64xf32>
    %max3A_109 = arith.maximumf %max3A_106, %squeeze3A_108 : vector<256x64xf32>
    %slice3A_110 = vector.extract_strided_slice %reshape3A_43 {offsets = [0, 23, 0], sizes = [256, 1, 64], strides = [1, 1, 1]} : vector<256x32x64xf32> to vector<256x1x64xf32>
    %squeeze3A_111 = vector.shape_cast %slice3A_110 : vector<256x1x64xf32> to vector<256x64xf32>
    %max3A_112 = arith.maximumf %max3A_109, %squeeze3A_111 : vector<256x64xf32>
    %slice3A_113 = vector.extract_strided_slice %reshape3A_43 {offsets = [0, 24, 0], sizes = [256, 1, 64], strides = [1, 1, 1]} : vector<256x32x64xf32> to vector<256x1x64xf32>
    %squeeze3A_114 = vector.shape_cast %slice3A_113 : vector<256x1x64xf32> to vector<256x64xf32>
    %max3A_115 = arith.maximumf %max3A_112, %squeeze3A_114 : vector<256x64xf32>
    %slice3A_116 = vector.extract_strided_slice %reshape3A_43 {offsets = [0, 25, 0], sizes = [256, 1, 64], strides = [1, 1, 1]} : vector<256x32x64xf32> to vector<256x1x64xf32>
    %squeeze3A_117 = vector.shape_cast %slice3A_116 : vector<256x1x64xf32> to vector<256x64xf32>
    %max3A_118 = arith.maximumf %max3A_115, %squeeze3A_117 : vector<256x64xf32>
    %slice3A_119 = vector.extract_strided_slice %reshape3A_43 {offsets = [0, 26, 0], sizes = [256, 1, 64], strides = [1, 1, 1]} : vector<256x32x64xf32> to vector<256x1x64xf32>
    %squeeze3A_120 = vector.shape_cast %slice3A_119 : vector<256x1x64xf32> to vector<256x64xf32>
    %max3A_121 = arith.maximumf %max3A_118, %squeeze3A_120 : vector<256x64xf32>
    %slice3A_122 = vector.extract_strided_slice %reshape3A_43 {offsets = [0, 27, 0], sizes = [256, 1, 64], strides = [1, 1, 1]} : vector<256x32x64xf32> to vector<256x1x64xf32>
    %squeeze3A_123 = vector.shape_cast %slice3A_122 : vector<256x1x64xf32> to vector<256x64xf32>
    %max3A_124 = arith.maximumf %max3A_121, %squeeze3A_123 : vector<256x64xf32>
    %slice3A_125 = vector.extract_strided_slice %reshape3A_43 {offsets = [0, 28, 0], sizes = [256, 1, 64], strides = [1, 1, 1]} : vector<256x32x64xf32> to vector<256x1x64xf32>
    %squeeze3A_126 = vector.shape_cast %slice3A_125 : vector<256x1x64xf32> to vector<256x64xf32>
    %max3A_127 = arith.maximumf %max3A_124, %squeeze3A_126 : vector<256x64xf32>
    %slice3A_128 = vector.extract_strided_slice %reshape3A_43 {offsets = [0, 29, 0], sizes = [256, 1, 64], strides = [1, 1, 1]} : vector<256x32x64xf32> to vector<256x1x64xf32>
    %squeeze3A_129 = vector.shape_cast %slice3A_128 : vector<256x1x64xf32> to vector<256x64xf32>
    %max3A_130 = arith.maximumf %max3A_127, %squeeze3A_129 : vector<256x64xf32>
    %slice3A_131 = vector.extract_strided_slice %reshape3A_43 {offsets = [0, 30, 0], sizes = [256, 1, 64], strides = [1, 1, 1]} : vector<256x32x64xf32> to vector<256x1x64xf32>
    %squeeze3A_132 = vector.shape_cast %slice3A_131 : vector<256x1x64xf32> to vector<256x64xf32>
    %max3A_133 = arith.maximumf %max3A_130, %squeeze3A_132 : vector<256x64xf32>
    %slice3A_134 = vector.extract_strided_slice %reshape3A_43 {offsets = [0, 31, 0], sizes = [256, 1, 64], strides = [1, 1, 1]} : vector<256x32x64xf32> to vector<256x1x64xf32>
    %squeeze3A_135 = vector.shape_cast %slice3A_134 : vector<256x1x64xf32> to vector<256x64xf32>
    %max3A_136 = arith.maximumf %max3A_133, %squeeze3A_135 : vector<256x64xf32>
    %swap3A = arith.constant 0 : index
    %swap3A_137 = arith.constant 0 : index
    %swap3A_138 = vector.load %arg9[%swap3A, %swap3A_137] : memref<256x64xf32, #tpu.memory_space<vmem>>, vector<256x64xf32>
    tpu.vector_store %arg9[%swap3A, %swap3A_137], %max3A_136 {strides = array<i32>} : memref<256x64xf32, #tpu.memory_space<vmem>>, vector<256x64xf32>,
    return
  }
  func.func @transform_0(%arg0: i32) -> (i32, i32, i32) {
    %c0_i32 = arith.constant 0 : i32
    %c0_i32_0 = arith.constant 0 : i32
    %c0_i32_1 = arith.constant 0 : i32
    return %arg0, %c0_i32, %c0_i32_0 : i32, i32, i32
  }
  func.func @transform_1(%arg0: i32) -> (i32, i32) {
    %c0_i32 = arith.constant 0 : i32
    %c0_i32_0 = arith.constant 0 : i32
    return %arg0, %c0_i32 : i32, i32
  }
  func.func @transform_2(%arg0: i32) -> (i32, i32) {
    %c0_i32 = arith.constant 0 : i32
    %c0_i32_0 = arith.constant 0 : i32
    %c0_i32_1 = arith.constant 0 : i32
    return %c0_i32, %c0_i32_0 : i32, i32
  }
  func.func @transform_3(%arg0: i32) -> (i32, i32) {
    %c0_i32 = arith.constant 0 : i32
    %c0_i32_0 = arith.constant 0 : i32
    %c0_i32_1 = arith.constant 0 : i32
    return %c0_i32, %c0_i32_0 : i32, i32
  }
  func.func @transform_4(%arg0: i32) -> (i32, i32) {
    %c0_i32 = arith.constant 0 : i32
    %c0_i32_0 = arith.constant 0 : i32
    %c0_i32_1 = arith.constant 0 : i32
    return %c0_i32, %c0_i32_0 : i32, i32
  }
  func.func @transform_5(%arg0: i32) -> (i32, i32) {
    %c0_i32 = arith.constant 0 : i32
    %c0_i32_0 = arith.constant 0 : i32
    %c0_i32_1 = arith.constant 0 : i32
    return %c0_i32, %c0_i32_0 : i32, i32
  }
  func.func @transform_6(%arg0: i32) -> (i32, i32) {
    %c0_i32 = arith.constant 0 : i32
    %c0_i32_0 = arith.constant 0 : i32
    %c0_i32_1 = arith.constant 0 : i32
    return %c0_i32, %c0_i32_0 : i32, i32
  }
  func.func @transform_7(%arg0: i32) -> (i32, i32) {
    %c0_i32 = arith.constant 0 : i32
    %c0_i32_0 = arith.constant 0 : i32
    %c0_i32_1 = arith.constant 0 : i32
    return %c0_i32, %c0_i32_0 : i32, i32
  }
  func.func @transform_8(%arg0: i32) -> (i32, i32) {
    %c0_i32 = arith.constant 0 : i32
    %c0_i32_0 = arith.constant 0 : i32
    return %arg0, %c0_i32 : i32, i32
  }
}

</mosaic_0001>

<sc_bundles>
// kernel: gather_offload_async_start
scs
__scs_entry_jumppad:
0x0: {  	(pc) =	sbr.rel $0x88, $3  }
0x1: {  	(tag) =	ssettag $0x0;
	lr =	simm.s32 $0x1  }
0x2: {  	[smem:$0x3F97] =	sst lr;
	_ =	strace $0xD0000000  }
0x3: {  	_ = 	snop  }
0x4: {  	_ = 	snop  }
0x5: {  	_ = 	snop  }
0x6: {  	_ = 	snop  }
0x7: {  	_ = 	snop  }
__scs_overlays_trampoline_lowered:
0x8: {  	[smem:$0x3FA6] =	sst s0  }
0x9: {  	[smem:$0x3FA7] =	sst s1  }
0xa: {  	[smem:$0x3FA8] =	sst s2  }
0xb: {  	[smem:$0x3FA9] =	sst s3  }
0xc: {  	[smem:$0x3FAA] =	sst s4  }
0xd: {  	[smem:$0x3FAB] =	sst s5  }
0xe: {  	[smem:$0x3FAC] =	sst s6  }
0xf: {  	[smem:$0x3FAD] =	sst s7  }
0x10: {  	[smem:$0x3FAE] =	sst s8  }
0x11: {  	[smem:$0x3FAF] =	sst s9;
	s0 =	simm.s32 @!p0 $0x0  }
0x12: {  	s1 =	sld [smem:$0x3F95];
	s0 =	simm.s32 @p0 $0x1  }
0x13: {  	[smem:$0x3FB0] =	sst s0;
	s0 =	simm.s32 @!p1 $0x0  }
0x14: {  	s2 =	sld [smem:$0x3F94];
	s0 =	simm.s32 @p1 $0x1  }
0x15: {  	[smem:$0x3FB1] =	sst s0;
	s0 =	simm.s32 @!p2 $0x0  }
0x16: {  	s3 =	sld [smem:$0x3FDB];
	s0 =	simm.s32 @p2 $0x1  }
0x17: {  	s4 =	simm.s32 $0x1BF5;
	[smem:$0x3FB3] =	sst s0  }
0x18: {  	s0 =	sld [smem:$0x3F96];
	_ =	swait.ge [sflag:s4], $0x0  }
0x19: {  	s7 =	sld [smem:$0x3F97]  }
0x1a: {  	s8 =	sadd.s32 $0xFFFFE003, lr  }
0x1b: {  	s9 =	sadd.s32 $0xFFFFFEF7, lr;
	s5 =	simm.s32 $0xFFFFFFFF;
	p2 =	slt.u32 s8, $0xFFFFF086  }
0x1c: {  	p1 =	slt.u32 s9, $0xF7A;
	s5 =	simm.s32 @!p2 $0x0  }
0x1d: {  	s5 =	simm.s32 @p1 $0x1;
	p0 =	seq.s32 s7, s2  }
0x1e: {  	s7 =	smul.u32 @!p0 $0xF7A, s2;
	p2 =	seq.s32 @!p0 s5, $0x0  }
0x1f: {  	s9 =	smul.u32 $0xF7A, s1;
	s8 =	simm.s32 @!p0 $0x1BF5;
	p2 =	por !p2, p0  }
0x20: {  	[sflag:s8] =	ssyncset.s32 @!p0 $0xFFFFF086;
	s6 =	sadd.s32 @!p0 s3, s7;
	s7 =	simm.s32 @!p0 $0x108  }
0x21: {  	s3 =	sadd.s32 s3, s9;
	s6 =	sadd.s32 @!p0 $0x88, s6;
	s7 =	simm.s32 @p2 $0x1082  }
0x22: {  	[simem:s7], [sflag:s8] =	dma.local @!p0 [hbm:s6], $0xF7A  }
0x23: {  	s9 =	sor.u32 $0xD0000000, s2;
	s6 =	simm.s32 $0x108;
	_ =	swait.ge @!p0 [sflag:s8], $0x0  }
0x24: {  	s3 =	sadd.s32 $0x88, s3;
	s6 =	simm.s32 @!p1 $0x1082;
	[sflag:s4] =	ssyncset.s32 $0xFFFFF086  }
0x25: {  	[simem:s6], [sflag:s4] =	dma.local [hbm:s3], $0xF7A  }
0x26: {  	[smem:$0x3F97] =	sst s1;
	(tag) =	ssettag s2;
	_ =	strace s9  }
0x27: {  	s1 =	sld [smem:$0x3FA7]  }
0x28: {  	s2 =	sld [smem:$0x3FA8]  }
0x29: {  	s4 =	sld [smem:$0x3FAA]  }
0x2a: {  	p0 =	seq.s32 s5, $0x0;
	s5 =	sld [smem:$0x3FAB]  }
0x2b: {  	s6 =	sld [smem:$0x3FAC]  }
0x2c: {  	s7 =	sld [smem:$0x3FAD]  }
0x2d: {  	s3 =	simm.s32 $0x108;
	s8 =	sld [smem:$0x3FAE]  }
0x2e: {  	s3 =	simm.s32 @!p0 $0x1082;
	s9 =	sld [smem:$0x3FAF]  }
0x2f: {  	lr =	sadd.s32 s0, s3;
	s0 =	sld [smem:$0x3FA6]  }
0x30: {  	s3 =	sld [smem:$0x3FA9]  }
0x31: {  	[smem:$0x3FB2] =	sst s10  }
0x32: {  	s10 =	sld [smem:$0x3FB0];
	_ =	sdelay $0x3  }
0x33: {  	p0 =	seq.s32 s10, $0x1;
	s10 =	sld [smem:$0x3FB2];
	_ =	sdelay $0x3  }
0x34: {  	[smem:$0x3FB2] =	sst s10  }
0x35: {  	s10 =	sld [smem:$0x3FB1];
	_ =	sdelay $0x3  }
0x36: {  	p1 =	seq.s32 s10, $0x1;
	s10 =	sld [smem:$0x3FB2];
	_ =	sdelay $0x3  }
0x37: {  	[smem:$0x3FB2] =	sst s10  }
0x38: {  	s10 =	sld [smem:$0x3FB3]  }
0x39: {  	_ = 	snop;
	(pc) =	sbr.ind lr, $3  }
0x3a: {  	_ = 	snop  }
0x3b: {  	_ = 	snop  }
0x3c: {  	p2 =	seq.s32 s10, $0x1;
	s10 =	sld [smem:$0x3FB2]  }
0x3d: {  	_ =	shalt  }
0x3e: {  	_ =	shalt  }
0x3f: {  	_ =	shalt  }
0x40: {  	_ =	shalt  }
0x41: {  	_ =	shalt  }
0x42: {  	_ =	shalt  }
0x43: {  	_ =	shalt  }
0x44: {  	_ =	shalt  }
0x45: {  	_ =	shalt  }
0x46: {  	_ =	shalt  }
0x47: {  	_ =	shalt  }
0x48: {  	_ =	shalt  }
0x49: {  	_ =	shalt  }
0x4a: {  	_ =	shalt  }
0x4b: {  	_ =	shalt  }
0x4c: {  	_ =	shalt  }
0x4d: {  	_ =	shalt  }
0x4e: {  	_ =	shalt  }
0x4f: {  	_ =	shalt  }
0x50: {  	_ =	shalt  }
0x51: {  	_ =	shalt  }
0x52: {  	_ =	shalt  }
0x53: {  	_ =	shalt  }
0x54: {  	_ =	shalt  }
0x55: {  	_ =	shalt  }
0x56: {  	_ =	shalt  }
0x57: {  	_ =	shalt  }
0x58: {  	_ =	shalt  }
0x59: {  	_ =	shalt  }
0x5a: {  	_ =	shalt  }
0x5b: {  	_ =	shalt  }
0x5c: {  	_ =	shalt  }
0x5d: {  	_ =	shalt  }
0x5e: {  	_ =	shalt  }
0x5f: {  	_ =	shalt  }
0x60: {  	_ =	shalt  }
0x61: {  	_ =	shalt  }
0x62: {  	_ =	shalt  }
0x63: {  	_ =	shalt  }
0x64: {  	_ =	shalt  }
0x65: {  	_ =	shalt  }
0x66: {  	_ =	shalt  }
0x67: {  	_ =	shalt  }
0x68: {  	_ =	shalt  }
0x69: {  	_ =	shalt  }
0x6a: {  	_ =	shalt  }
0x6b: {  	_ =	shalt  }
0x6c: {  	_ =	shalt  }
0x6d: {  	_ =	shalt  }
0x6e: {  	_ =	shalt  }
0x6f: {  	_ =	shalt  }
0x70: {  	_ =	shalt  }
0x71: {  	_ =	shalt  }
0x72: {  	_ =	shalt  }
0x73: {  	_ =	shalt  }
0x74: {  	_ =	shalt  }
0x75: {  	_ =	shalt  }
0x76: {  	_ =	shalt  }
0x77: {  	_ =	shalt  }
0x78: {  	_ =	shalt  }
0x79: {  	_ =	shalt  }
0x7a: {  	_ =	shalt  }
0x7b: {  	_ =	shalt  }
0x7c: {  	_ =	shalt  }
0x7d: {  	_ =	shalt  }
0x7e: {  	_ =	shalt  }
0x7f: {  	_ =	shalt  }
0x80: {  	_ =	shalt  }
0x81: {  	_ =	shalt  }
0x82: {  	_ =	shalt  }
0x83: {  	_ =	shalt  }
0x84: {  	_ =	shalt  }
0x85: {  	_ =	shalt  }
0x86: {  	_ =	shalt  }
0x87: {  	_ =	shalt  }
.Lfunc_end0:
.L_simem_size_0:
called_computation_lowered:
.L_overlay_start_0:
0x88: {  	s2 =	sld [smem:$0x3FD9]  }
0x89: {  	s3 =	sld [smem:$0x3FFE];
	_ =	sdelay $0x1  }
0x8a: {  	s1 =	srdreg.scid  }
0x8b: {  	s0 =	sand.u32 $0x1, s1  }
0x8c: {  	s14 =	sshll.u32 s0, $0xA;
	s2 =	sadd.s32 s3, s2  }
0x8d: {  	s2 =	sadd.s32 s2, s14  }
0x8e: {  	[smem:$0x3FBE] =	sst s2  }
0x8f: {  	_ = 	snop  }
0x90: {  	s2 =	sld [smem:$0x3FD0];
	_ =	sdelay $0x2  }
0x91: {  	s15 =	simm.s32 $0xA;
	s4 =	simm.s32 $0x10  }
0x92: {  	[smem:s4], [sflag:s15] =	dma.local [hbm:s2], $0x1  }
0x93: {  	_ =	swait.eq [sflag:s15], $0x1  }
0x94: {  	[sflag:s15] =	ssyncset.done $0x0  }
0x95: {  	[sflag:s15] =	ssyncadd.s32 $0xFFFFFFFF  }
0x96: {  	s16 =	sld [smem:$0x10];
	(tm) =	ssettm $0x1  }
0x97: {  	s17 =	sld [smem:$0x3FFB];
	_ =	sdelay $0x3  }
0x98: {  	_ =	strace s17  }
0x99: {  	s3 =	sld [smem:$0x3FFC];
	_ =	sdelay $0x3  }
0x9a: {  	_ =	strace s3  }
0x9b: {  	s3 =	sld [smem:$0x3FFD];
	_ =	sdelay $0x3  }
0x9c: {  	_ =	strace s3  }
0x9d: {  	_ =	strace $0x8FFFFFFF  }
0x9e: {  	s18 =	sld [smem:$0x3FDB];
	_ =	sdelay $0x1  }
0x9f: {  	s19 =	simm.s32 $_scs_section_size  }
0xa0: {  	s5 =	simm.s32 $_size__tile_overlayer_lowered;
	s6 =	simm.s32 $_tile_overlayer_lowered  }
0xa1: {  	s22 =	simm.s32 $0x1BFF;
	s21 =	sshll.u32 s6, $0x1;
	s3 =	sadd.s32 s19, s18  }
0xa2: {  	s7 =	simm.s32 $0x0;
	s20 =	sshll.u32 s5, $0x1;
	s5 =	sadd.s32 s21, s3  }
0xa3: {  	[timem:s7], [sflag:s22] =	dma.local [hbm:s5], s20  }
0xa4: {  	_ =	swait.ge [sflag:s22], s20  }
0xa5: {  	s4 =	ssub.s32 $0x0, s20;
	[sflag:s22] =	ssyncset.done $0x0  }
0xa6: {  	[sflag:s22] =	ssyncadd.s32 s4;
	_ =	sdelay $0x1  }
0xa7: {  	s23 =	simm.s32 $0x1B8B  }
0xa8: {  	_ =	swait.ge [sflag:s23], $0x1  }
0xa9: {  	[sflag:s23] =	ssyncset.done $0x0  }
0xaa: {  	s25 =	simm.s32 $0x1B8E;
	s24 =	sld [smem:$0x3FFE];
	[sflag:s23] =	ssyncadd.s32 $0xFFFFFFFF  }
0xab: {  	s26 =	simm.s32 $execute0_lowered;
	[smem:$0x3FD2] =	sst s25  }
0xac: {  	s5 =	sshll.u32 s26, $0x1;
	_ =	strace $0x80000046;
	[dreg:$0x1] =	wrdreg $0xFFFFFFFF  }
0xad: {  	s28 =	simm.s32 $_size_execute0_lowered;
	s3 =	sadd.s32 s3, s5;
	[dreg:$0x0] =	wrdreg $0x0  }
0xae: {  	s5 =	sshll.u32 s28, $0x1;
	[dreg:$0x2] =	wrdreg s3  }
0xaf: {  	[dreg:$0x3] =	wrdreg s5  }
0xb0: {  	[dreg:$0x4] =	wrdreg $0xC0  }
0xb1: {  	_ =	task [dreg:s7], $0x5FFFF  }
0xb2: {  	[dreg:$0x1] =	wrdreg $0xFFFFFFFF  }
0xb3: {  	[dreg:$0x0] =	wrdreg $0x60  }
0xb4: {  	[dreg:$0x2] =	wrdreg s24  }
0xb5: {  	[dreg:$0x3] =	wrdreg s16  }
0xb6: {  	[dreg:$0x4] =	wrdreg $0x9  }
0xb7: {  	_ =	task.clear_ibuf [dreg:s7], $0x5FFFF;
	_ =	strace $0x90000046  }
0xb8: {  	s29 =	simm.s32 $0x9;
	_ =	strace $0x80000048  }
0xb9: {  	_ =	swait.ge [sflag:s29], $0x1  }
0xba: {  	[sflag:s29] =	ssyncadd.s32 $0xFFFFFFFF  }
0xbb: {  	_ =	strace $0x90000048  }
0xbc: {  	_ =	sfence  }
0xbd: {  	s30 =	sld [smem:$0x0];
	_ =	sdelay $0x2  }
0xbe: {  	s31 =	sshll.u32 s1, $0xD;
	s1 =	sshrl.u32 s1, $0x2  }
0xbf: {  	s3 =	sand.u32 $0x4000, s31;
	s1 =	sadd.s32 s1, s30  }
0xc0: {  	s0 =	sor.u32 s3, s0;
	s1 =	sshll.u32 s1, $0x11  }
0xc1: {  	s0 =	sor.u32 s1, s0  }
0xc2: {  	s0 =	sadd.s32 $0x8F2B, s0  }
0xc3: {  	[sflag:s0] =	ssyncadd.remote.s32 $0x1  }
0xc4: {  	_ =	sfence.sel $0xFFFF  }
0xc5: {  	[dreg:$0x0] =	wrdreg $0xFFFFFFFF;
	(pc) =	sbr.abs _section_cstart, $3  }
0xc6: {  	[dreg:$0x1] =	wrdreg $0xFFFFFFFF  }
0xc7: {  	_ =	task.clear_ibuf [dreg:s7], $0x2FFFF;
	_ =	strace $0x9FFFFFFF  }
0xc8: {  	(tm) =	ssettm $0x7FFFFFFF  }
0xc9: {  	_ =	shalt  }
tec
execute0_lowered:
.L_overlay_start_1:
0x0: {  	(tag) =	ssettag $0x1  }
0x1: {  	s7 =	rddreg [dreg:$0x0]  }
0x2: {  	s2 =	rddreg [dreg:$0x1]  }
0x3: {  	s0 =	rddreg [dreg:$0x2]  }
0x4: {  	s1 =	srdreg.scid;
	_ =	strace $0x80000047;
	s4 =	simm.s32 $0x1  }
0x5: {  	s9 =	simm.s32 $0x3;
	s12 =	simm.s32 $0x0;
	s5 =	sshll.u32 s1, $0x4  }
.Ltmp0:
0x6: {  	s1 =	stileid.u32;
	s5 =	sand.u32 $0x10, s5;
	(pc) =	sbr.rel .LBB2_1-.Ltmp0, $4  }
0x7: {  	s10 =	simm.s32 $0x0;
	s3 =	sadd.s32 $0x82200, s7;
	s6 =	sor.u32 s1, s5  }
0x8: {  	[sflag:s4] =	ssyncpa.u1 $0x0;
	s5 =	simm.s32 $0x2;
	s6 =	sshll.u32 s6, $0x6  }
0x9: {  	s7 =	sadd.s32 $0x102200, s7;
	[sflag:s5] =	ssyncpa.u1 $0x0;
	s8 =	sadd.s32 $0x40, s6  }
0xa: {  	vm0 =	vmmov $0xffff;
	[sflag:s9] =	ssyncpa.u1 $0x0;
	s9 =	simm.s32 $0x40;
	s11 =	smov.u32 s6  }
.LBB2_9:
0xb: {  	p0 =	seq.s32 s10, $0x2  }
.Ltmp1:
0xc: {  	_ = 	snop;
	(pc) =	sbr.rel @p0 .LBB2_11-.Ltmp1, $1  }
0xd: {  	_ =	sdelay $0x3  }
.LBB2_10:
0xe: {  	s12 =	sadd.s32 $0x40, s11  }
0xf: {  	s13 =	smov.u32 s6;
	p0 =	slt.s32 s12, s8  }
0x10: {  	s13 =	smov.u32 @p0 s12  }
0x11: {  	s10 =	sadd.s32 $0x1, s10;
	s12 =	smov.u32 s11;
	s11 =	smov.u32 s13  }
.LBB2_1:
0x12: {  	p0 =	sne.s32 s10, $0x0  }
.Ltmp2:
0x13: {  	_ = 	snop;
	(pc) =	sbr.rel @!p0 .LBB2_2-.Ltmp2, $1  }
0x14: {  	_ =	sdelay $0x3  }
0x15: {  	s13 =	sand.u32 $0x1, s10  }
0x16: {  	p0 =	seq.s32 s13, $0x0  }
.Ltmp3:
0x17: {  	_ = 	snop;
	(pc) =	sbr.rel @p0 .LBB2_9-.Ltmp3, $1  }
0x18: {  	_ =	sdelay $0x3  }
0x19: {  	_ =	swait.ge [sflag:s5], $0x40  }
0x1a: {  	[sflag:s5] =	ssyncset.done $0x0  }
0x1b: {  	s13 =	simm.s32 $0x0;
	[sflag:s5] =	ssyncadd.s32 $0xFFFFFFC0  }
0x1c: {  	v0 =	vld.msk [tilespmem:s13+$0x40 ss:$0x1], $0xffff;
	_ =	sdelay $0x4  }
0x1d: {  	vm1 =	vgt.s32 v0, $0x0  }
0x1e: {  	v0 =	vnsel vm1, $0x0, v0  }
0x1f: {  	v0 =	vmin.u32 v0, $0x1FFF  }
0x20: {  	v0 =	vshll.u32 v0, $0x6;
	_ =	sdelay $0x3  }
0x21: {  	s14 =	simm.s32 $0x10;
	s13 =	simm.s32 $0x8080  }
0x22: {  	[tilespmem:s13], [sflag:$0x1] =	stream.indirect_vreg.gather [hbm:s3], $0x200, v0, vm0, $0x38;
	[tilespmem:$0x10080] =	vst v63  }
0x23: {  	v0 =	vld.msk [tilespmem:s14+$0x40 ss:$0x1], $0xffff;
	s14 =	simm.s32 $0x80  }
.LBB2_5:
0x24: {  	p0 =	sne.s32 s14, $0xC0;
	_ =	sdelay $0x4  }
0x25: {  	vm1 =	vgt.s32 v0, $0x0  }
0x26: {  	v0 =	vnsel vm1, $0x0, v0  }
0x27: {  	v0 =	vmin.u32 v0, $0x1FFF  }
0x28: {  	v0 =	vshll.u32 v0, $0x6;
	_ =	sdelay $0x1  }
.Ltmp4:
0x29: {  	(pc) =	sbr.rel @p0 .LBB2_5-.Ltmp4, $4  }
0x2a: {  	_ = 	snop  }
0x2b: {  	s15 =	sshra.s32 s14, $0x2;
	s13 =	sadd.s32 $0x2000, s13  }
0x2c: {  	[tilespmem:s13], [sflag:$0x1] =	stream.indirect_vreg.gather [hbm:s3], $0x200, v0, vm0, $0x38;
	[tilespmem:$0x10080] =	vst v63  }
0x2d: {  	s14 =	sadd.s32 $0x40, s14;
	v0 =	vld.msk [tilespmem:s15+$0x40 ss:$0x1], $0xffff  }
0x2e: {  	_ =	sdelay $0x3  }
0x2f: {  	vm1 =	vgt.s32 v0, $0x0  }
0x30: {  	v0 =	vnsel vm1, $0x0, v0  }
0x31: {  	v0 =	vmin.u32 v0, $0x1FFF  }
0x32: {  	v0 =	vshll.u32 v0, $0x6;
	_ =	sdelay $0x3  }
0x33: {  	s13 =	sadd.s32 $0x2000, s13  }
0x34: {  	[tilespmem:s13], [sflag:$0x1] =	stream.indirect_vreg.gather [hbm:s3], $0x200, v0, vm0, $0x38;
	[tilespmem:$0x10080] =	vst v63  }
0x35: {  	s12 =	sshll.u32 s12, $0x6;
	s14 =	simm.s32 $0x40;
	_ =	swait.ge [sflag:s4], $0x8000  }
0x36: {  	s15 =	simm.s32 $0x8280;
	s12 =	sadd.s32 s12, s7;
	[sflag:s4] =	ssyncset.done $0x0  }
0x37: {  	s16 =	sadd.s32 $0x0, s12;
	s13 =	simm.s32 $0x8080;
	[sflag:s4] =	ssyncadd.s32 $0xFFFF8000  }
.LBB2_7:
0x38: {  	[hbm:s16] =	stream.linear.scatter [tilespmem:s13], [sflag:$0x3], $0x200, $0x38;
	[tilespmem:$0x10080] =	vst v63  }
0x39: {  	s16 =	smov.u32 s14;
	s13 =	smov.u32 s15;
	p0 =	sne.s32 s14, $0xFC0  }
.Ltmp5:
0x3a: {  	s14 =	sadd.s32 $0x40, s14;
	(pc) =	sbr.rel @p0 .LBB2_7-.Ltmp5, $2  }
0x3b: {  	_ =	sdelay $0x2  }
0x3c: {  	s15 =	sadd.s32 $0x200, s15;
	s16 =	sadd.s32 s16, s12  }
.Ltmp6:
0x3d: {  	(pc) =	sbr.rel .LBB2_9-.Ltmp6, $2  }
0x3e: {  	_ =	sdelay $0x2  }
0x3f: {  	[hbm:s16] =	stream.linear.scatter [tilespmem:s13], [sflag:$0x3], $0x200, $0x38;
	[tilespmem:$0x10080] =	vst v63  }
.LBB2_2:
.Ltmp7:
0x40: {  	(pc) =	sbr.rel .LBB2_10-.Ltmp7, $4  }
0x41: {  	_ = 	snop  }
0x42: {  	s12 =	sshrl.u32 s11, $0x3  }
0x43: {  	s13 =	sand.u32 $0x7, s11;
	s12 =	sadd.s32 s2, s12  }
0x44: {  	[tilespmem:s9], [sflag:$0x2] =	stream.linear.gather [hbm4b:s12+s13], $0x40, $0x38;
	[tilespmem:$0x10080] =	vst v63  }
.LBB2_11:
0x45: {  	s2 =	simm.s32 $0x3  }
0x46: {  	_ =	swait.ge [sflag:s2], $0x8000  }
0x47: {  	[sflag:s2] =	ssyncset.done $0x0  }
0x48: {  	[sflag:s2] =	ssyncadd.s32 $0xFFFF8000  }
0x49: {  	_ =	sfence.sel $0x180000  }
0x4a: {  	s3 =	simm.s32 $0x2;
	[bflag:$0x0] =	sbarrier.arrive $0xFFFF  }
0x4b: {  	[sflag:s3] =	ssyncpa.u1 $0x1  }
0x4c: {  	s31 =	simm.s32 $0x1;
	[sflag:s2] =	ssyncpa.u1 $0x1  }
0x4d: {  	[sflag:s31] =	ssyncpa.u1 $0x1  }
0x4e: {  	p0 =	sne.s32 s1, $0x0;
	_ =	strace $0x90000047  }
0x4f: {  	s0 =	sadd.s32 @!p0 $0x100000, s0;
	[bflag:$0x2] =	sbarrier.arrive $0xFFFF  }
0x50: {  	[sflag:s0] =	ssyncadd.tile.s32 @!p0 $0x1;
	_ =	shalt  }
.Lfunc_end2:
_tile_overlayer_lowered:
.L_overlay_start_2:
0x51: {  	(tag) =	ssettag $0x2  }
0x52: {  	s0 =	rddreg [dreg:$0x0];
	s2 =	stileid.u32  }
0x53: {  	s1 =	rddreg [dreg:$0x1];
	p0 =	sne.s32 s2, $0x0  }
0x54: {  	s3 =	rddreg [dreg:$0x2];
	[bflag:$0x3] =	sbarrier.arrive $0xFFFF;
	s2 =	simm.s32 @!p0 $0x1C01  }
0x55: {  	[timem:s3], [sflag:s2] =	dma.local @!p0 [hbm:s0], s1  }
0x56: {  	s0 =	simm.s32 @!p0 $0x1  }
0x57: {  	_ =	swait.ge @!p0 [sflag:s0], s1  }
0x58: {  	s1 =	ssub.s32 @!p0 $0x0, s1;
	[sflag:s0] =	ssyncset.done @!p0 $0x0  }
0x59: {  	[sflag:s0] =	ssyncadd.s32 @!p0 s1  }
0x5a: {  	[bflag:$0x3] =	sbarrier.arrive $0xFFFF  }
0x5b: {  	_ =	shalt  }

// kernel: kernel.7.cloned.1.call-start
scs
__scs_entry_jumppad:
0x0: {  	(pc) =	sbr.rel $0x88, $3  }
0x1: {  	(tag) =	ssettag $0x0;
	lr =	simm.s32 $0x1  }
0x2: {  	[smem:$0x3F97] =	sst lr;
	_ =	strace $0xD0000000  }
0x3: {  	_ = 	snop  }
0x4: {  	_ = 	snop  }
0x5: {  	_ = 	snop  }
0x6: {  	_ = 	snop  }
0x7: {  	_ = 	snop  }
__scs_overlays_trampoline_lowered:
0x8: {  	[smem:$0x3FA6] =	sst s0  }
0x9: {  	[smem:$0x3FA7] =	sst s1  }
0xa: {  	[smem:$0x3FA8] =	sst s2  }
0xb: {  	[smem:$0x3FA9] =	sst s3  }
0xc: {  	[smem:$0x3FAA] =	sst s4  }
0xd: {  	[smem:$0x3FAB] =	sst s5  }
0xe: {  	[smem:$0x3FAC] =	sst s6  }
0xf: {  	[smem:$0x3FAD] =	sst s7  }
0x10: {  	[smem:$0x3FAE] =	sst s8  }
0x11: {  	[smem:$0x3FAF] =	sst s9;
	s0 =	simm.s32 @!p0 $0x0  }
0x12: {  	s1 =	sld [smem:$0x3F95];
	s0 =	simm.s32 @p0 $0x1  }
0x13: {  	[smem:$0x3FB0] =	sst s0;
	s0 =	simm.s32 @!p1 $0x0  }
0x14: {  	s2 =	sld [smem:$0x3F94];
	s0 =	simm.s32 @p1 $0x1  }
0x15: {  	[smem:$0x3FB1] =	sst s0;
	s0 =	simm.s32 @!p2 $0x0  }
0x16: {  	s3 =	sld [smem:$0x3FDB];
	s0 =	simm.s32 @p2 $0x1  }
0x17: {  	s4 =	simm.s32 $0x1BF5;
	[smem:$0x3FB3] =	sst s0  }
0x18: {  	s0 =	sld [smem:$0x3F96];
	_ =	swait.ge [sflag:s4], $0x0  }
0x19: {  	s7 =	sld [smem:$0x3F97]  }
0x1a: {  	s8 =	sadd.s32 $0xFFFFE003, lr  }
0x1b: {  	s9 =	sadd.s32 $0xFFFFFEF7, lr;
	s5 =	simm.s32 $0xFFFFFFFF;
	p2 =	slt.u32 s8, $0xFFFFF086  }
0x1c: {  	p1 =	slt.u32 s9, $0xF7A;
	s5 =	simm.s32 @!p2 $0x0  }
0x1d: {  	s5 =	simm.s32 @p1 $0x1;
	p0 =	seq.s32 s7, s2  }
0x1e: {  	s7 =	smul.u32 @!p0 $0xF7A, s2;
	p2 =	seq.s32 @!p0 s5, $0x0  }
0x1f: {  	s9 =	smul.u32 $0xF7A, s1;
	s8 =	simm.s32 @!p0 $0x1BF5;
	p2 =	por !p2, p0  }
0x20: {  	[sflag:s8] =	ssyncset.s32 @!p0 $0xFFFFF086;
	s6 =	sadd.s32 @!p0 s3, s7;
	s7 =	simm.s32 @!p0 $0x108  }
0x21: {  	s3 =	sadd.s32 s3, s9;
	s6 =	sadd.s32 @!p0 $0x88, s6;
	s7 =	simm.s32 @p2 $0x1082  }
0x22: {  	[simem:s7], [sflag:s8] =	dma.local @!p0 [hbm:s6], $0xF7A  }
0x23: {  	s9 =	sor.u32 $0xD0000000, s2;
	s6 =	simm.s32 $0x108;
	_ =	swait.ge @!p0 [sflag:s8], $0x0  }
0x24: {  	s3 =	sadd.s32 $0x88, s3;
	s6 =	simm.s32 @!p1 $0x1082;
	[sflag:s4] =	ssyncset.s32 $0xFFFFF086  }
0x25: {  	[simem:s6], [sflag:s4] =	dma.local [hbm:s3], $0xF7A  }
0x26: {  	[smem:$0x3F97] =	sst s1;
	(tag) =	ssettag s2;
	_ =	strace s9  }
0x27: {  	s1 =	sld [smem:$0x3FA7]  }
0x28: {  	s2 =	sld [smem:$0x3FA8]  }
0x29: {  	s4 =	sld [smem:$0x3FAA]  }
0x2a: {  	p0 =	seq.s32 s5, $0x0;
	s5 =	sld [smem:$0x3FAB]  }
0x2b: {  	s6 =	sld [smem:$0x3FAC]  }
0x2c: {  	s7 =	sld [smem:$0x3FAD]  }
0x2d: {  	s3 =	simm.s32 $0x108;
	s8 =	sld [smem:$0x3FAE]  }
0x2e: {  	s3 =	simm.s32 @!p0 $0x1082;
	s9 =	sld [smem:$0x3FAF]  }
0x2f: {  	lr =	sadd.s32 s0, s3;
	s0 =	sld [smem:$0x3FA6]  }
0x30: {  	s3 =	sld [smem:$0x3FA9]  }
0x31: {  	[smem:$0x3FB2] =	sst s10  }
0x32: {  	s10 =	sld [smem:$0x3FB0];
	_ =	sdelay $0x3  }
0x33: {  	p0 =	seq.s32 s10, $0x1;
	s10 =	sld [smem:$0x3FB2];
	_ =	sdelay $0x3  }
0x34: {  	[smem:$0x3FB2] =	sst s10  }
0x35: {  	s10 =	sld [smem:$0x3FB1];
	_ =	sdelay $0x3  }
0x36: {  	p1 =	seq.s32 s10, $0x1;
	s10 =	sld [smem:$0x3FB2];
	_ =	sdelay $0x3  }
0x37: {  	[smem:$0x3FB2] =	sst s10  }
0x38: {  	s10 =	sld [smem:$0x3FB3]  }
0x39: {  	_ = 	snop;
	(pc) =	sbr.ind lr, $3  }
0x3a: {  	_ = 	snop  }
0x3b: {  	_ = 	snop  }
0x3c: {  	p2 =	seq.s32 s10, $0x1;
	s10 =	sld [smem:$0x3FB2]  }
0x3d: {  	_ =	shalt  }
0x3e: {  	_ =	shalt  }
0x3f: {  	_ =	shalt  }
0x40: {  	_ =	shalt  }
0x41: {  	_ =	shalt  }
0x42: {  	_ =	shalt  }
0x43: {  	_ =	shalt  }
0x44: {  	_ =	shalt  }
0x45: {  	_ =	shalt  }
0x46: {  	_ =	shalt  }
0x47: {  	_ =	shalt  }
0x48: {  	_ =	shalt  }
0x49: {  	_ =	shalt  }
0x4a: {  	_ =	shalt  }
0x4b: {  	_ =	shalt  }
0x4c: {  	_ =	shalt  }
0x4d: {  	_ =	shalt  }
0x4e: {  	_ =	shalt  }
0x4f: {  	_ =	shalt  }
0x50: {  	_ =	shalt  }
0x51: {  	_ =	shalt  }
0x52: {  	_ =	shalt  }
0x53: {  	_ =	shalt  }
0x54: {  	_ =	shalt  }
0x55: {  	_ =	shalt  }
0x56: {  	_ =	shalt  }
0x57: {  	_ =	shalt  }
0x58: {  	_ =	shalt  }
0x59: {  	_ =	shalt  }
0x5a: {  	_ =	shalt  }
0x5b: {  	_ =	shalt  }
0x5c: {  	_ =	shalt  }
0x5d: {  	_ =	shalt  }
0x5e: {  	_ =	shalt  }
0x5f: {  	_ =	shalt  }
0x60: {  	_ =	shalt  }
0x61: {  	_ =	shalt  }
0x62: {  	_ =	shalt  }
0x63: {  	_ =	shalt  }
0x64: {  	_ =	shalt  }
0x65: {  	_ =	shalt  }
0x66: {  	_ =	shalt  }
0x67: {  	_ =	shalt  }
0x68: {  	_ =	shalt  }
0x69: {  	_ =	shalt  }
0x6a: {  	_ =	shalt  }
0x6b: {  	_ =	shalt  }
0x6c: {  	_ =	shalt  }
0x6d: {  	_ =	shalt  }
0x6e: {  	_ =	shalt  }
0x6f: {  	_ =	shalt  }
0x70: {  	_ =	shalt  }
0x71: {  	_ =	shalt  }
0x72: {  	_ =	shalt  }
0x73: {  	_ =	shalt  }
0x74: {  	_ =	shalt  }
0x75: {  	_ =	shalt  }
0x76: {  	_ =	shalt  }
0x77: {  	_ =	shalt  }
0x78: {  	_ =	shalt  }
0x79: {  	_ =	shalt  }
0x7a: {  	_ =	shalt  }
0x7b: {  	_ =	shalt  }
0x7c: {  	_ =	shalt  }
0x7d: {  	_ =	shalt  }
0x7e: {  	_ =	shalt  }
0x7f: {  	_ =	shalt  }
0x80: {  	_ =	shalt  }
0x81: {  	_ =	shalt  }
0x82: {  	_ =	shalt  }
0x83: {  	_ =	shalt  }
0x84: {  	_ =	shalt  }
0x85: {  	_ =	shalt  }
0x86: {  	_ =	shalt  }
0x87: {  	_ =	shalt  }
.Lfunc_end0:
.L_simem_size_0:
called_computation.1_lowered:
.L_overlay_start_0:
0x88: {  	s2 =	sld [smem:$0x3FD9]  }
0x89: {  	s3 =	sld [smem:$0x3FFE];
	_ =	sdelay $0x1  }
0x8a: {  	s1 =	srdreg.scid  }
0x8b: {  	s0 =	sand.u32 $0x1, s1  }
0x8c: {  	s14 =	sshll.u32 s0, $0xA;
	s2 =	sadd.s32 s3, s2  }
0x8d: {  	s2 =	sadd.s32 s2, s14  }
0x8e: {  	[smem:$0x3FBE] =	sst s2  }
0x8f: {  	_ = 	snop  }
0x90: {  	s2 =	sld [smem:$0x3FD0];
	_ =	sdelay $0x2  }
0x91: {  	s15 =	simm.s32 $0xA;
	s4 =	simm.s32 $0x10  }
0x92: {  	[smem:s4], [sflag:s15] =	dma.local [hbm:s2], $0x1  }
0x93: {  	_ =	swait.eq [sflag:s15], $0x1  }
0x94: {  	[sflag:s15] =	ssyncset.done $0x0  }
0x95: {  	[sflag:s15] =	ssyncadd.s32 $0xFFFFFFFF  }
0x96: {  	s16 =	sld [smem:$0x11];
	(tm) =	ssettm $0x1  }
0x97: {  	s17 =	sld [smem:$0x3FFB];
	_ =	sdelay $0x3  }
0x98: {  	_ =	strace s17  }
0x99: {  	s3 =	sld [smem:$0x3FFC];
	_ =	sdelay $0x3  }
0x9a: {  	_ =	strace s3  }
0x9b: {  	s3 =	sld [smem:$0x3FFD];
	_ =	sdelay $0x3  }
0x9c: {  	_ =	strace s3  }
0x9d: {  	_ =	strace $0x8FFFFFFF  }
0x9e: {  	s18 =	sld [smem:$0x3FDB];
	_ =	sdelay $0x1  }
0x9f: {  	s19 =	simm.s32 $_scs_section_size  }
0xa0: {  	s5 =	simm.s32 $_size__tile_overlayer_lowered;
	s6 =	simm.s32 $_tile_overlayer_lowered  }
0xa1: {  	s22 =	simm.s32 $0x1BFF;
	s21 =	sshll.u32 s6, $0x1;
	s3 =	sadd.s32 s19, s18  }
0xa2: {  	s7 =	simm.s32 $0x0;
	s20 =	sshll.u32 s5, $0x1;
	s5 =	sadd.s32 s21, s3  }
0xa3: {  	[timem:s7], [sflag:s22] =	dma.local [hbm:s5], s20  }
0xa4: {  	_ =	swait.ge [sflag:s22], s20  }
0xa5: {  	s4 =	ssub.s32 $0x0, s20;
	[sflag:s22] =	ssyncset.done $0x0  }
0xa6: {  	[sflag:s22] =	ssyncadd.s32 s4;
	_ =	sdelay $0x1  }
0xa7: {  	s23 =	simm.s32 $0x1B8B  }
0xa8: {  	_ =	swait.ge [sflag:s23], $0x1  }
0xa9: {  	[sflag:s23] =	ssyncset.done $0x0  }
0xaa: {  	s25 =	simm.s32 $0x1B8E;
	s24 =	sld [smem:$0x3FFE];
	[sflag:s23] =	ssyncadd.s32 $0xFFFFFFFF  }
0xab: {  	s26 =	simm.s32 $execute0_lowered;
	[smem:$0x3FD2] =	sst s25  }
0xac: {  	s5 =	sshll.u32 s26, $0x1;
	_ =	strace $0x80000049;
	[dreg:$0x1] =	wrdreg $0xFFFFFFFF  }
0xad: {  	s28 =	simm.s32 $_size_execute0_lowered;
	s3 =	sadd.s32 s3, s5;
	[dreg:$0x0] =	wrdreg $0x0  }
0xae: {  	s5 =	sshll.u32 s28, $0x1;
	[dreg:$0x2] =	wrdreg s3  }
0xaf: {  	[dreg:$0x3] =	wrdreg s5  }
0xb0: {  	[dreg:$0x4] =	wrdreg $0xC0  }
0xb1: {  	_ =	task [dreg:s7], $0x5FFFF  }
0xb2: {  	[dreg:$0x1] =	wrdreg $0xFFFFFFFF  }
0xb3: {  	[dreg:$0x0] =	wrdreg $0x60  }
0xb4: {  	[dreg:$0x2] =	wrdreg s24  }
0xb5: {  	[dreg:$0x3] =	wrdreg s16  }
0xb6: {  	[dreg:$0x4] =	wrdreg $0x9  }
0xb7: {  	_ =	task.clear_ibuf [dreg:s7], $0x5FFFF;
	_ =	strace $0x90000049  }
0xb8: {  	s29 =	simm.s32 $0x9;
	_ =	strace $0x8000004B  }
0xb9: {  	_ =	swait.ge [sflag:s29], $0x1  }
0xba: {  	[sflag:s29] =	ssyncadd.s32 $0xFFFFFFFF  }
0xbb: {  	_ =	strace $0x9000004B  }
0xbc: {  	_ =	sfence  }
0xbd: {  	s30 =	sld [smem:$0x0];
	_ =	sdelay $0x2  }
0xbe: {  	s31 =	sshll.u32 s1, $0xD;
	s1 =	sshrl.u32 s1, $0x2  }
0xbf: {  	s3 =	sand.u32 $0x4000, s31;
	s1 =	sadd.s32 s1, s30  }
0xc0: {  	s0 =	sor.u32 s3, s0;
	s1 =	sshll.u32 s1, $0x11  }
0xc1: {  	s0 =	sor.u32 s1, s0  }
0xc2: {  	s0 =	sadd.s32 $0x8F2B, s0  }
0xc3: {  	[sflag:s0] =	ssyncadd.remote.s32 $0x1  }
0xc4: {  	_ =	sfence.sel $0xFFFF  }
0xc5: {  	[dreg:$0x0] =	wrdreg $0xFFFFFFFF;
	(pc) =	sbr.abs _section_cstart, $3  }
0xc6: {  	[dreg:$0x1] =	wrdreg $0xFFFFFFFF  }
0xc7: {  	_ =	task.clear_ibuf [dreg:s7], $0x2FFFF;
	_ =	strace $0x9FFFFFFF  }
0xc8: {  	(tm) =	ssettm $0x7FFFFFFF  }
0xc9: {  	_ =	shalt  }
tec
execute0_lowered:
.L_overlay_start_1:
0x0: {  	(tag) =	ssettag $0x1  }
0x1: {  	s4 =	rddreg [dreg:$0x0]  }
0x2: {  	s6 =	rddreg [dreg:$0x1]  }
0x3: {  	s0 =	rddreg [dreg:$0x2];
	s2 =	simm.s32 $0x0;
	s1 =	stileid.u32  }
0x4: {  	s3 =	srdreg.scid;
	[smem:$0x7FF] =	sst s2  }
0x5: {  	s5 =	sshll.u32 s1, $0x10;
	s7 =	sand.u32 $0x1, s3;
	s3 =	sadd.s32 $0x2200, s4  }
0x6: {  	s9 =	sshll.u32 s1, $0xE;
	_ =	strace $0x8000004A;
	s5 =	sadd.s32 s5, s4  }
0x7: {  	s29 =	ssub.s32 $0x2, s7;
	s10 =	sshll.u32 s7, $0xD;
	s7 =	sshll.u32 s7, $0xF  }
0x8: {  	s8 =	sshrl.u32 s29, $0x1;
	s30 =	sor.u32 s10, s9;
	s5 =	sadd.s32 s7, s5  }
0x9: {  	s7 =	simm.s32 $0x2;
	s9 =	simm.s32 $0x1;
	s10 =	simm.s32 $0x0  }
0xa: {  	s4 =	ssub.s32 s29, s8;
	s31 =	sshrl.u32 s30, $0x3;
	s5 =	sadd.s32 $0x22200, s5  }
0xb: {  	s8 =	simm.s32 $0x80;
	s4 =	smax.u32 s4, $0x1;
	s6 =	sadd.s32 s31, s6  }
.LBB2_1:
0xc: {  	s11 =	sadd.s32 $0x0, s6  }
0xd: {  	[tilespmem:s2], [sflag:$0x2] =	stream.linear.gather [hbm4b:s11+s2], $0x80, $0x38;
	[tilespmem:$0x1080] =	vst v63  }
0xe: {  	_ =	swait.ge [sflag:s7], $0x80  }
0xf: {  	[sflag:s7] =	ssyncset.done $0x0  }
0x10: {  	[sflag:s7] =	ssyncadd.s32 $0xFFFFFF80  }
0x11: {  	[tilespmem:s8], [sflag:$0x1] =	stream.indirect.gather [hbm4b:s3+s8], $0x20, s2, s8, $0xb8;
	[tilespmem:$0x1080] =	vst v63  }
0x12: {  	_ =	swait.ge [sflag:s9], $0x1000  }
0x13: {  	[sflag:s9] =	ssyncset.done $0x0  }
0x14: {  	[sflag:s9] =	ssyncadd.s32 $0xFFFFF000  }
0x15: {  	[hbm4b:s5+s2] =	stream.linear.scatter [tilespmem:s8], [sflag:$0x2], $0x1000, $0x38;
	[tilespmem:$0x1080] =	vst v63  }
0x16: {  	s12 =	simm.s32 $0x10;
	_ =	swait.ge [sflag:s7], $0x1000  }
0x17: {  	s13 =	simm.s32 $0x20;
	s11 =	sadd.s32 $0x200, s5;
	[sflag:s7] =	ssyncset.done $0x0  }
.LBB2_2:
0x18: {  	s14 =	sadd.s32 s12, s6  }
0x19: {  	[sflag:s7] =	ssyncadd.s32 $0xFFFFF000;
	s12 =	smov.u32 s13;
	s15 =	sadd.s32 $0x10, s13  }
0x1a: {  	[tilespmem:s2], [sflag:$0x2] =	stream.linear.gather [hbm4b:s14+s2], $0x80, $0x38;
	[tilespmem:$0x1080] =	vst v63  }
0x1b: {  	p0 =	sne.s32 s13, $0x3F0;
	_ =	swait.ge [sflag:s7], $0x80  }
0x1c: {  	[sflag:s7] =	ssyncset.done $0x0  }
0x1d: {  	[sflag:s7] =	ssyncadd.s32 $0xFFFFFF80  }
0x1e: {  	[tilespmem:s8], [sflag:$0x1] =	stream.indirect.gather [hbm4b:s3+s8], $0x20, s2, s8, $0xb8;
	[tilespmem:$0x1080] =	vst v63  }
0x1f: {  	_ =	swait.ge [sflag:s9], $0x1000  }
.Ltmp0:
0x20: {  	[sflag:s9] =	ssyncset.done $0x0;
	(pc) =	sbr.rel @p0 .LBB2_2-.Ltmp0, $4  }
0x21: {  	[sflag:s9] =	ssyncadd.s32 $0xFFFFF000  }
0x22: {  	[hbm4b:s11+s2] =	stream.linear.scatter [tilespmem:s8], [sflag:$0x2], $0x1000, $0x38;
	[tilespmem:$0x1080] =	vst v63  }
0x23: {  	_ =	swait.ge [sflag:s7], $0x1000  }
0x24: {  	s13 =	smov.u32 s15;
	s11 =	sadd.s32 $0x200, s11;
	[sflag:s7] =	ssyncset.done $0x0  }
0x25: {  	s12 =	sadd.s32 s12, s6;
	[sflag:s7] =	ssyncadd.s32 $0xFFFFF000  }
0x26: {  	[tilespmem:s2], [sflag:$0x2] =	stream.linear.gather [hbm4b:s12+s2], $0x80, $0x38;
	[tilespmem:$0x1080] =	vst v63  }
0x27: {  	_ =	swait.ge [sflag:s7], $0x80  }
0x28: {  	[sflag:s7] =	ssyncset.done $0x0  }
0x29: {  	[sflag:s7] =	ssyncadd.s32 $0xFFFFFF80  }
0x2a: {  	[tilespmem:s8], [sflag:$0x1] =	stream.indirect.gather [hbm4b:s3+s8], $0x20, s2, s8, $0xb8;
	[tilespmem:$0x1080] =	vst v63  }
0x2b: {  	s10 =	sadd.s32 $0x1, s10;
	_ =	swait.ge [sflag:s9], $0x1000  }
0x2c: {  	p0 =	sne.s32 s10, s4;
	[sflag:s9] =	ssyncset.done $0x0  }
.Ltmp1:
0x2d: {  	[sflag:s9] =	ssyncadd.s32 $0xFFFFF000;
	(pc) =	sbr.rel @p0 .LBB2_1-.Ltmp1, $4  }
0x2e: {  	[hbm4b:s11+s2] =	stream.linear.scatter [tilespmem:s8], [sflag:$0x2], $0x1000, $0x38;
	[tilespmem:$0x1080] =	vst v63  }
0x2f: {  	_ =	swait.ge [sflag:s7], $0x1000  }
0x30: {  	[sflag:s7] =	ssyncset.done $0x0  }
0x31: {  	[sflag:s7] =	ssyncadd.s32 $0xFFFFF000  }
0x32: {  	_ =	sfence.sel $0x180000  }
0x33: {  	[bflag:$0x0] =	sbarrier.arrive $0xFFFF  }
0x34: {  	p0 =	sne.s32 s1, $0x0;
	_ =	strace $0x9000004A  }
0x35: {  	s0 =	sadd.s32 @!p0 $0x100000, s0;
	[bflag:$0x2] =	sbarrier.arrive $0xFFFF  }
0x36: {  	[sflag:s0] =	ssyncadd.tile.s32 @!p0 $0x1;
	_ =	shalt  }
.Lfunc_end2:
_tile_overlayer_lowered:
.L_overlay_start_2:
0x37: {  	(tag) =	ssettag $0x2  }
0x38: {  	s0 =	rddreg [dreg:$0x0];
	s2 =	stileid.u32  }
0x39: {  	s1 =	rddreg [dreg:$0x1];
	p0 =	sne.s32 s2, $0x0  }
0x3a: {  	s3 =	rddreg [dreg:$0x2];
	[bflag:$0x3] =	sbarrier.arrive $0xFFFF;
	s2 =	simm.s32 @!p0 $0x1C02  }
0x3b: {  	[timem:s3], [sflag:s2] =	dma.local @!p0 [hbm:s0], s1  }
0x3c: {  	s0 =	simm.s32 @!p0 $0x2  }
0x3d: {  	_ =	swait.ge @!p0 [sflag:s0], s1  }
0x3e: {  	s1 =	ssub.s32 @!p0 $0x0, s1;
	[sflag:s0] =	ssyncset.done @!p0 $0x0  }
0x3f: {  	[sflag:s0] =	ssyncadd.s32 @!p0 s1  }
0x40: {  	[bflag:$0x3] =	sbarrier.arrive $0xFFFF  }
0x41: {  	_ =	shalt  }

</sc_bundles>
